<compile_context>
chip_gen: v7x
topology: tpu7x:2x2x1
jax: 0.10.2.dev20260603
libtpu: 0.0.44.dev20260713+nightly
codegen_flags: <defaults>
</compile_context>

<pallas_src>
import functools

import jax
import jax.numpy as jnp
from jax import lax
from jax.experimental import pallas as pl
from jax.experimental.pallas import tpu as pltpu
from jax.experimental.pallas import tpu_sc as plsc

BG = 8
CH = 2048


def _sc_gather_rows(table, idx_flat):
    tot = idx_flat.shape[0]
    width = table.shape[-1]
    info = plsc.get_sparse_core_info()
    nw = info.num_cores * info.num_subcores
    b_per_w = tot // nw
    mesh = plsc.VectorSubcoreMesh(core_axis_name="c", subcore_axis_name="s")

    @functools.partial(
        pl.kernel,
        mesh=mesh,
        out_type=jax.ShapeDtypeStruct((tot, width), jnp.float32),
        scratch_types=[
            pltpu.VMEM((b_per_w,), jnp.int32),
            pltpu.VMEM((b_per_w, width), jnp.float32),
            pltpu.SemaphoreType.DMA,
        ],
    )
    def gather_k(table_hbm, idx_hbm, out_hbm, idx_v, rows_v, sem):
        wid = lax.axis_index("s") * info.num_cores + lax.axis_index("c")
        base = wid * b_per_w
        pltpu.sync_copy(idx_hbm.at[pl.ds(base, b_per_w)], idx_v)
        pltpu.async_copy(table_hbm.at[idx_v], rows_v, sem).wait()
        pltpu.sync_copy(rows_v, out_hbm.at[pl.ds(base, b_per_w)])

    return gather_k(table, idx_flat)


_CONTRACT0 = (((0,), (0,)), ((), ()))


def _encode_body(d_model, n_cust, xt_ref, dem_ref, bd_ref, bcol_ref, brow_ref,
                 outct_ref, pairs_ref, sums_ref, acc_ref):
    ci = pl.program_id(1)
    bd = bd_ref[...]
    xall = xt_ref[...].reshape(BG * d_model, -1)
    ch = xall.shape[1]
    enc_t_all = jnp.maximum(
        lax.dot_general(bd, xall, _CONTRACT0,
                        preferred_element_type=jnp.float32)
        + bcol_ref[...], 0.0)
    enc_nm_all = jnp.maximum(
        lax.dot_general(xall, bd, _CONTRACT0,
                        preferred_element_type=jnp.float32)
        + brow_ref[...], 0.0)
    u32q = lax.bitcast_convert_type(
        enc_nm_all.astype(jnp.bfloat16), jnp.uint16).astype(jnp.uint32)
    q = ch // 4
    p_a = (u32q[:q] << 16) | u32q[q:2 * q]
    p_b = (u32q[2 * q:3 * q] << 16) | u32q[3 * q:]
    esum_all = jnp.transpose(
        jnp.sum(enc_t_all, axis=1, keepdims=True))
    pad = jnp.zeros((1, 63), jnp.float32)
    for j in range(BG):
        lo, hi = j * d_model, (j + 1) * d_model
        lane = lax.broadcasted_iota(jnp.int32, (1, ch), 1) + ci * ch
        dem_row = jnp.where(lane < n_cust, dem_ref[j], 0.0)
        outct_ref[:, j, :] = jnp.concatenate(
            [enc_t_all[lo:hi], dem_row], axis=0)
        pairs_ref[j] = lax.bitcast_convert_type(
            jnp.concatenate([p_a[:, lo:hi], p_b[:, lo:hi]], axis=1),
            jnp.float32)
        dsum = jnp.sum(dem_row, axis=1, keepdims=True)
        srow = jnp.concatenate(
            [esum_all[:, lo:hi], dsum, pad], axis=1)
        total = jnp.where(ci == 0, srow, acc_ref[pl.ds(j, 1)] + srow)
        acc_ref[pl.ds(j, 1)] = total
        sums_ref[j] = total


def _vehicle_body(n_nodes, g_ref, up_ref, cap_ref, t_ref, mt_ref, s_ref,
                  outvt_ref):
    g = g_ref[...]
    d = g.shape[-1] // 2
    slot = up_ref[...][:, :, None]
    u = lax.bitcast_convert_type(g, jnp.uint32)
    ua = jnp.where(slot < 2.0, u[:, :, :d], u[:, :, d:])
    par = slot - 2.0 * jnp.floor(slot * 0.5)
    u16v = jnp.where(par < 0.5, ua >> 16, ua & 0xFFFF)
    venc = lax.bitcast_convert_type(u16v << 16, jnp.float32)
    rows = jnp.concatenate(
        [venc, cap_ref[...][:, :, None], t_ref[...][:, :, None]], axis=2)
    s = s_ref[...]
    s2 = s[:, 0, :]
    mean = s2[:, :d] * (1.0 / n_nodes)
    dsum = s2[:, d:d + 1]
    row0 = jnp.concatenate([mean, dsum, mt_ref[...]], axis=1)
    outvt_ref[...] = jnp.concatenate([row0[None], rows], axis=0)


def kernel(batch_node_features, batch_vehicle_positions, batch_remaining_capacities,
           batch_time_elapsed, batch_customer_max_time, batch_customer_remaining_demands,
           W, b):
    B, N, D_IN = batch_node_features.shape
    D = W.shape[1]
    V = batch_vehicle_positions.shape[1]
    N_CUST = batch_customer_remaining_demands.shape[1]
    half = N // 2

    xt = jnp.transpose(batch_node_features, (0, 2, 1))
    dem3 = batch_customer_remaining_demands.reshape(B, 1, N_CUST)
    bd = jnp.kron(jnp.eye(BG, dtype=jnp.float32), W)
    bcol = jnp.tile(b, BG)[:, None]
    brow = jnp.tile(b, BG)[None, :]

    n_steps = B // BG
    n_chunks = N // CH
    outct, pairs, sums = pl.pallas_call(
        functools.partial(_encode_body, D, N_CUST),
        grid=(n_steps, n_chunks),
        in_specs=[
            pl.BlockSpec((BG, D_IN, CH), lambda i, ci: (i, 0, ci)),
            pl.BlockSpec((BG, 1, CH), lambda i, ci: (i, 0, ci)),
            pl.BlockSpec((BG * D_IN, BG * D), lambda i, ci: (0, 0)),
            pl.BlockSpec((BG * D_IN, 1), lambda i, ci: (0, 0)),
            pl.BlockSpec((1, BG * D), lambda i, ci: (0, 0)),
        ],
        out_specs=[
            pl.BlockSpec((D + 1, BG, CH), lambda i, ci: (0, i, ci)),
            pl.BlockSpec((BG, CH // 4, 2 * D), lambda i, ci: (i, ci, 0)),
            pl.BlockSpec((BG, 1, 2 * D), lambda i, ci: (i, 0, 0)),
        ],
        out_shape=[
            jax.ShapeDtypeStruct((D + 1, B, N), jnp.float32),
            jax.ShapeDtypeStruct((B, N // 4, 2 * D), jnp.float32),
            jax.ShapeDtypeStruct((B, 1, 2 * D), jnp.float32),
        ],
        scratch_shapes=[pltpu.VMEM((BG, 2 * D), jnp.float32)],
    )(xt, dem3, bd, bcol, brow)
    outc = jnp.transpose(outct, (1, 2, 0))

    post = jnp.transpose(batch_vehicle_positions, (1, 0)).astype(jnp.int32)
    ci_t = post // CH
    m_t = post % CH
    quarter = N // 4
    pair_row = ci_t * (CH // 4) + m_t % (CH // 4)
    pair_idx = (pair_row
                + (jnp.arange(B, dtype=jnp.int32) * quarter)[None, :]).reshape(-1)
    gathered = _sc_gather_rows(pairs.reshape(B * (N // 4), 2 * D), pair_idx)
    g3 = gathered.reshape(V, B, 2 * D)

    up3 = (m_t // (CH // 4)).astype(jnp.float32)
    cap3 = jnp.transpose(batch_remaining_capacities, (1, 0))
    t3 = jnp.transpose(batch_time_elapsed, (1, 0))
    mt2 = batch_customer_max_time[:, None]
    outvt = pl.pallas_call(
        functools.partial(_vehicle_body, N),
        grid=(1,),
        in_specs=[
            pl.BlockSpec((V, B, 2 * D), lambda i: (0, 0, 0)),
            pl.BlockSpec((V, B), lambda i: (0, 0)),
            pl.BlockSpec((V, B), lambda i: (0, 0)),
            pl.BlockSpec((V, B), lambda i: (0, 0)),
            pl.BlockSpec((B, 1), lambda i: (0, 0)),
            pl.BlockSpec((B, 1, 2 * D), lambda i: (0, 0, 0)),
        ],
        out_specs=pl.BlockSpec((V + 1, B, D + 2), lambda i: (0, 0, 0)),
        out_shape=jax.ShapeDtypeStruct((V + 1, B, D + 2), jnp.float32),
    )(g3, up3, cap3, t3, mt2, sums)
    outv = jnp.transpose(outvt, (1, 0, 2))

    return (outv, outc)

# --- scband reference (transcript-rebuilt; emitter-appended) ---
"""Pipeline reference for scband-encoder-38362647888613 (READ-ONLY COPY).

The authoritative reference and input builder live on the scoring server;
editing this copy changes nothing except your own understanding.
"""

import jax, jax.numpy as jnp
import numpy as np

B, N_CUST, N_DUMMY, D_IN, D_MODEL, V = 64, 4086, 10, 64, 64, 32
N = N_CUST + N_DUMMY


def setup_inputs(seed: int = 0) -> dict:
    key = jax.random.key(seed)
    ks = jax.random.split(key, 8)
    return {
        "batch_node_features": jax.random.normal(ks[0], (B, N, D_IN), dtype=jnp.float32),
        "batch_vehicle_positions": jax.random.randint(ks[1], (B, V), 0, N),
        "batch_remaining_capacities": jax.random.uniform(ks[2], (B, V), dtype=jnp.float32),
        "batch_time_elapsed": jax.random.uniform(ks[3], (B, V), dtype=jnp.float32),
        "batch_customer_max_time": jax.random.uniform(ks[4], (B,), dtype=jnp.float32),
        "batch_customer_remaining_demands": jax.random.uniform(ks[5], (B, N_CUST), dtype=jnp.float32),
        "W": jax.random.normal(ks[6], (D_IN, D_MODEL), dtype=jnp.float32) / np.sqrt(D_IN),
        "b": jnp.zeros((D_MODEL,), dtype=jnp.float32),
    }


def reference(batch_node_features, batch_vehicle_positions, batch_remaining_capacities,
              batch_time_elapsed, batch_customer_max_time, batch_customer_remaining_demands,
              W, b):
    # encode(): non-graph encoder path -> per-node MLP encoder on stacked node features
    enc = jax.nn.relu(jnp.einsum('bnd,de->bne', batch_node_features, W) + b)  # [B, N, D_MODEL]
    batch_global_embedding = jnp.mean(enc, axis=1)  # [B, D_MODEL]

    # get_current_batch_state(include_global=True, include_remaining_demands=True)
    idx = jnp.broadcast_to(batch_vehicle_positions[:, :, None], (B, V, D_MODEL))
    vehicle_node_embeddings = jnp.take_along_axis(enc, idx, axis=1)  # torch.gather over dim=1
    vehicle_context = jnp.concatenate(
        [batch_remaining_capacities[..., None], batch_time_elapsed[..., None]], axis=-1)
    vehicle_embeddings = jnp.concatenate([vehicle_node_embeddings, vehicle_context], axis=-1)

    demands = batch_customer_remaining_demands[..., None]  # [B, N_CUST, 1]
    global_remaining_demand = jnp.sum(demands, axis=1)  # [B, 1]
    global_context = jnp.concatenate(
        [global_remaining_demand, batch_customer_max_time[:, None]], axis=-1)  # [B, 2]
    global_embedding = jnp.concatenate(
        [batch_global_embedding[:, None, :], global_context[:, None, :]], axis=2)  # [B, 1, D_MODEL+2]
    current_vehicle_embeddings = jnp.concatenate([global_embedding, vehicle_embeddings], axis=1)

    wait_time_node_context = jnp.zeros((B, N_DUMMY, 1), dtype=enc.dtype)
    customer_new_context = jnp.concatenate([demands, wait_time_node_context], axis=1)  # [B, N, 1]
    current_customer_embeddings = jnp.concatenate([enc, customer_new_context], axis=2)  # [B, N, D_MODEL+1]

    return (current_vehicle_embeddings, current_customer_embeddings)

if __name__ == "__main__":
    import jax
    _d = setup_inputs()
    print(jax.jit(kernel)(*tuple(_d.values())))

</pallas_src>

<mosaic_0001>
#map = affine_map<(d0, d1) -> (0, 0)>
#map1 = affine_map<(d0, d1) -> (0)>
module attributes {stable_mosaic.version = 14 : i64} {
  func.func @gather_k(%arg0: i32, %arg1: i32, %arg2: memref<65536x128xf32, #tpu.memory_space<hbm>>, %arg3: memref<2048xi32, #tpu.memory_space<hbm>>, %arg4: memref<2048x128xf32, #tpu.memory_space<hbm>>, %arg5: memref<64xi32, #tpu.memory_space<vmem>>, %arg6: memref<64x128xf32, #tpu.memory_space<vmem>>, %arg7: memref<!tpu.dma_semaphore, #tpu.memory_space<semaphore_mem>>) attributes {dimension_semantics = [#tpu.dimension_semantics<core_parallel>, #tpu.dimension_semantics<subcore_parallel>], iteration_bounds = array<i64: 2, 16>, scalar_prefetch = 0 : i64, scratch_operands = 3 : i64, tpu.core_type = #tpu.core_type<sc_vector_subcore>, window_params = [{transform_indices = #map}, {transform_indices = #map1}, {transform_indices = #map}]} {
    %mul3A = arith.constant 2 : i32
    %mul3A_0 = arith.muli %arg1, %mul3A : i32
    %add3A = arith.addi %mul3A_0, %arg0 : i32
    %mul3A_1 = arith.constant 64 : i32
    %mul3A_2 = arith.muli %add3A, %mul3A_1 : i32
    "tpu.region"() ({
      %run_scoped3A = tpu.sem_alloc : memref<!tpu.dma_semaphore, #tpu.memory_space<semaphore_mem>>
      %dma_start3A_7 = tpu.memref_slice %arg3[%mul3A_2] : memref<2048xi32, #tpu.memory_space<hbm>> -> memref<64xi32, #tpu.memory_space<hbm>>
      %dma_start3A_8 = tpu.memref_slice %arg3[%mul3A_2] : memref<2048xi32, #tpu.memory_space<hbm>> -> memref<64xi32, #tpu.memory_space<hbm>>
      tpu.enqueue_dma source(%dma_start3A_8 : memref<64xi32, #tpu.memory_space<hbm>>) target(%arg5 : memref<64xi32, #tpu.memory_space<vmem>>) target_semaphore(%run_scoped3A : memref<!tpu.dma_semaphore, #tpu.memory_space<semaphore_mem>>)
      %dma_wait3A_9 = tpu.memref_slice %arg3[%mul3A_2] : memref<2048xi32, #tpu.memory_space<hbm>> -> memref<64xi32, #tpu.memory_space<hbm>>
      %dma_wait3A_10 = tpu.memref_slice %arg3[%mul3A_2] : memref<2048xi32, #tpu.memory_space<hbm>> -> memref<64xi32, #tpu.memory_space<hbm>>
      tpu.wait_dma2 semaphore(%run_scoped3A : memref<!tpu.dma_semaphore, #tpu.memory_space<semaphore_mem>>) src(%dma_wait3A_10 : memref<64xi32, #tpu.memory_space<hbm>>) dst(%arg5 : memref<64xi32, #tpu.memory_space<vmem>>)
      tpu.yield
    }) : () -> ()
    %dma_start3A = arith.constant 0 : i32
    %dma_start3A_3 = arith.constant 0 : i32
    %dma_start3A_4 = tpu.memref_slice %arg2[%dma_start3A, %dma_start3A_3] : memref<65536x128xf32, #tpu.memory_space<hbm>> -> memref<65536x128xf32, #tpu.memory_space<hbm>>
    tpu.enqueue_indirect_dma source(%dma_start3A_4 : memref<65536x128xf32, #tpu.memory_space<hbm>>) target(%arg6 : memref<64x128xf32, #tpu.memory_space<vmem>>) offsets(%arg5 : memref<64xi32, #tpu.memory_space<vmem>>) semaphore(%arg7 : memref<!tpu.dma_semaphore, #tpu.memory_space<semaphore_mem>>)
    %dma_wait3A = arith.constant 0 : i32
    %dma_wait3A_5 = arith.constant 0 : i32
    %dma_wait3A_6 = tpu.memref_slice %arg2[%dma_wait3A, %dma_wait3A_5] : memref<65536x128xf32, #tpu.memory_space<hbm>> -> memref<65536x128xf32, #tpu.memory_space<hbm>>
    tpu.wait_indirect_dma semaphore(%arg7 : memref<!tpu.dma_semaphore, #tpu.memory_space<semaphore_mem>>) src(%dma_wait3A_6 : memref<65536x128xf32, #tpu.memory_space<hbm>>) dst(%arg6 : memref<64x128xf32, #tpu.memory_space<vmem>>)
    "tpu.region"() ({
      %run_scoped3A = tpu.sem_alloc : memref<!tpu.dma_semaphore, #tpu.memory_space<semaphore_mem>>
      %dma_start3A_7 = arith.constant 0 : i32
      %dma_start3A_8 = tpu.memref_slice %arg4[%mul3A_2, %dma_start3A_7] : memref<2048x128xf32, #tpu.memory_space<hbm>> -> memref<64x128xf32, #tpu.memory_space<hbm>>
      %dma_start3A_9 = arith.constant 0 : i32
      %dma_start3A_10 = tpu.memref_slice %arg4[%mul3A_2, %dma_start3A_9] : memref<2048x128xf32, #tpu.memory_space<hbm>> -> memref<64x128xf32, #tpu.memory_space<hbm>>
      tpu.enqueue_dma source(%arg6 : memref<64x128xf32, #tpu.memory_space<vmem>>) target(%dma_start3A_10 : memref<64x128xf32, #tpu.memory_space<hbm>>) target_semaphore(%run_scoped3A : memref<!tpu.dma_semaphore, #tpu.memory_space<semaphore_mem>>)
      %dma_wait3A_11 = arith.constant 0 : i32
      %dma_wait3A_12 = tpu.memref_slice %arg4[%mul3A_2, %dma_wait3A_11] : memref<2048x128xf32, #tpu.memory_space<hbm>> -> memref<64x128xf32, #tpu.memory_space<hbm>>
      %dma_wait3A_13 = arith.constant 0 : i32
      %dma_wait3A_14 = tpu.memref_slice %arg4[%mul3A_2, %dma_wait3A_13] : memref<2048x128xf32, #tpu.memory_space<hbm>> -> memref<64x128xf32, #tpu.memory_space<hbm>>
      tpu.wait_dma2 semaphore(%run_scoped3A : memref<!tpu.dma_semaphore, #tpu.memory_space<semaphore_mem>>) src(%arg6 : memref<64x128xf32, #tpu.memory_space<vmem>>) dst(%dma_wait3A_14 : memref<64x128xf32, #tpu.memory_space<hbm>>)
      tpu.yield
    }) : () -> ()
    return
  }
}

module attributes {stable_mosaic.version = 14 : i64} {
  func.func @_encode_body(%arg0: i32, %arg1: i32, %arg2: memref<8x64x2048xf32, #tpu.memory_space<vmem>>, %arg3: memref<8x1x2048xf32, #tpu.memory_space<vmem>>, %arg4: memref<512x512xf32, #tpu.memory_space<vmem>>, %arg5: memref<512x1xf32, #tpu.memory_space<vmem>>, %arg6: memref<1x512xf32, #tpu.memory_space<vmem>>, %arg7: memref<65x8x2048xf32, #tpu.memory_space<vmem>>, %arg8: memref<8x512x128xf32, #tpu.memory_space<vmem>>, %arg9: memref<8x1x128xf32, #tpu.memory_space<vmem>>, %arg10: memref<8x128xf32, #tpu.memory_space<vmem>>) attributes {dimension_semantics = [#tpu.dimension_semantics<arbitrary>, #tpu.dimension_semantics<arbitrary>], iteration_bounds = array<i64: 8, 2>, scalar_prefetch = 0 : i64, scratch_operands = 1 : i64, tpu.core_type = #tpu.core_type<tc>, window_params = [{transform_indices = @transform_0, window_bounds = array<i64: 8, 64, 2048>}, {transform_indices = @transform_1, window_bounds = array<i64: 8, 1, 2048>}, {pipeline_mode = #tpu.pipeline_mode<synchronous>, transform_indices = @transform_2, window_bounds = array<i64: 512, 512>}, {pipeline_mode = #tpu.pipeline_mode<synchronous>, transform_indices = @transform_3, window_bounds = array<i64: 512, 1>}, {pipeline_mode = #tpu.pipeline_mode<synchronous>, transform_indices = @transform_4, window_bounds = array<i64: 1, 512>}, {transform_indices = @transform_5, window_bounds = array<i64: 65, 8, 2048>}, {transform_indices = @transform_6, window_bounds = array<i64: 8, 512, 128>}, {transform_indices = @transform_7, window_bounds = array<i64: 8, 1, 128>}]} {
    %get3A = arith.constant 0 : index
    %get3A_0 = arith.constant 0 : index
    %get3A_1 = vector.load %arg4[%get3A, %get3A_0] : memref<512x512xf32, #tpu.memory_space<vmem>>, vector<512x512xf32>
    %get3A_2 = arith.constant 0 : index
    %get3A_3 = arith.constant 0 : index
    %get3A_4 = arith.constant 0 : index
    %get3A_5 = vector.load %arg2[%get3A_2, %get3A_3, %get3A_4] : memref<8x64x2048xf32, #tpu.memory_space<vmem>>, vector<8x64x2048xf32>
    %reshape3A = vector.shape_cast %get3A_5 : vector<8x64x2048xf32> to vector<512x2048xf32>
    %dot_general3A = arith.constant dense<0.000000e+00> : vector<512x2048xf32>
    %dot_general3A_6 = tpu.matmul %get3A_1, %reshape3A, %dot_general3A {dimension_numbers = #tpu.dot_dimension_numbers<[0], [0], [1], [1], [0, 1, 1, 1], [], []>, transpose_lhs_hint = false} : vector<512x512xf32>, vector<512x2048xf32>, vector<512x2048xf32> -> vector<512x2048xf32>
    %get3A_7 = arith.constant 0 : index
    %get3A_8 = arith.constant 0 : index
    %get3A_9 = vector.load %arg5[%get3A_7, %get3A_8] : memref<512x1xf32, #tpu.memory_space<vmem>>, vector<512x1xf32>
    %add3A = vector.broadcast %get3A_9 : vector<512x1xf32> to vector<512x2048xf32>
    %add3A_10 = arith.addf %dot_general3A_6, %add3A : vector<512x2048xf32>
    %max3A = arith.constant 0.000000e+00 : f32
    %max3A_11 = vector.broadcast %max3A : f32 to vector<512x2048xf32>
    %max3A_12 = arith.maximumf %add3A_10, %max3A_11 : vector<512x2048xf32>
    %dot_general3A_13 = arith.constant dense<0.000000e+00> : vector<2048x512xf32>
    %dot_general3A_14 = tpu.matmul %reshape3A, %get3A_1, %dot_general3A_13 {dimension_numbers = #tpu.dot_dimension_numbers<[0], [0], [1], [1], [0, 1, 1, 1], [], []>, transpose_lhs_hint = false} : vector<512x2048xf32>, vector<512x512xf32>, vector<2048x512xf32> -> vector<2048x512xf32>
    %get3A_15 = arith.constant 0 : index
    %get3A_16 = arith.constant 0 : index
    %get3A_17 = vector.load %arg6[%get3A_15, %get3A_16] : memref<1x512xf32, #tpu.memory_space<vmem>>, vector<1x512xf32>
    %add3A_18 = vector.broadcast %get3A_17 : vector<1x512xf32> to vector<2048x512xf32>
    %add3A_19 = arith.addf %dot_general3A_14, %add3A_18 : vector<2048x512xf32>
    %max3A_20 = arith.constant 0.000000e+00 : f32
    %max3A_21 = vector.broadcast %max3A_20 : f32 to vector<2048x512xf32>
    %max3A_22 = arith.maximumf %add3A_19, %max3A_21 : vector<2048x512xf32>
    %convert_element_type3A = arith.truncf %max3A_22 : vector<2048x512xf32> to vector<2048x512xbf16>
    %bitcast_convert_type3A = tpu.bitcast %convert_element_type3A : vector<2048x512xbf16> -> vector<2048x512xi16>
    %convert_element_type3A_23 = arith.extui %bitcast_convert_type3A : vector<2048x512xi16> to vector<2048x512xi32>
    %slice3A = vector.extract_strided_slice %convert_element_type3A_23 {offsets = [0, 0], sizes = [512, 512], strides = [1, 1]} : vector<2048x512xi32> to vector<512x512xi32>
    %shift_left3A = arith.constant 16 : i32
    %shift_left3A_24 = vector.broadcast %shift_left3A : i32 to vector<512x512xi32>
    %shift_left3A_25 = arith.shli %slice3A, %shift_left3A_24 : vector<512x512xi32>
    %slice3A_26 = vector.extract_strided_slice %convert_element_type3A_23 {offsets = [512, 0], sizes = [512, 512], strides = [1, 1]} : vector<2048x512xi32> to vector<512x512xi32>
    %or3A = arith.ori %shift_left3A_25, %slice3A_26 : vector<512x512xi32>
    %slice3A_27 = vector.extract_strided_slice %convert_element_type3A_23 {offsets = [1024, 0], sizes = [512, 512], strides = [1, 1]} : vector<2048x512xi32> to vector<512x512xi32>
    %shift_left3A_28 = arith.constant 16 : i32
    %shift_left3A_29 = vector.broadcast %shift_left3A_28 : i32 to vector<512x512xi32>
    %shift_left3A_30 = arith.shli %slice3A_27, %shift_left3A_29 : vector<512x512xi32>
    %slice3A_31 = vector.extract_strided_slice %convert_element_type3A_23 {offsets = [1536, 0], sizes = [512, 512], strides = [1, 1]} : vector<2048x512xi32> to vector<512x512xi32>
    %or3A_32 = arith.ori %shift_left3A_30, %slice3A_31 : vector<512x512xi32>
    %reduce_sum3A = arith.constant dense<0.000000e+00> : vector<512xf32>
    %reduce_sum3A_33 = vector.multi_reduction <add>, %max3A_12, %reduce_sum3A [1] : vector<512x2048xf32> to vector<512xf32>
    %broadcast_in_dim3A = vector.shape_cast %reduce_sum3A_33 : vector<512xf32> to vector<512x1xf32>
    %transpose3A = tpu.transpose %broadcast_in_dim3A, [1, 0] : vector<512x1xf32> -> vector<1x512xf32>
    %broadcast_in_dim3A_34 = arith.constant 0.000000e+00 : f32
    %broadcast_in_dim3A_35 = vector.broadcast %broadcast_in_dim3A_34 : f32 to vector<1x63xf32>
    %iota3A = tpu.iota {dimensions = array<i32: 1>} : vector<1x2048xi32>
    %mul3A = arith.constant 2048 : i32
    %mul3A_36 = arith.muli %arg1, %mul3A : i32
    %add3A_37 = vector.broadcast %mul3A_36 : i32 to vector<1x2048xi32>
    %add3A_38 = arith.addi %iota3A, %add3A_37 : vector<1x2048xi32>
    %lt3A = arith.constant 4086 : i32
    %lt3A_39 = vector.broadcast %lt3A : i32 to vector<1x2048xi32>
    %lt3A_40 = arith.cmpi slt, %add3A_38, %lt3A_39 : vector<1x2048xi32>
    %get3A_41 = arith.constant 0 : index
    %get3A_42 = arith.constant 0 : index
    %get3A_43 = arith.constant 0 : index
    %get3A_44 = vector.load %arg3[%get3A_41, %get3A_42, %get3A_43] : memref<8x1x2048xf32, #tpu.memory_space<vmem>>, vector<1x1x2048xf32>
    %get3A_45 = vector.shape_cast %get3A_44 : vector<1x1x2048xf32> to vector<1x2048xf32>
    %jit3A = arith.constant 0.000000e+00 : f32
    %broadcast_in_dim3A_46 = vector.broadcast %jit3A : f32 to vector<1x2048xf32>
    %select_n3A = arith.select %lt3A_40, %get3A_45, %broadcast_in_dim3A_46 : vector<1x2048xi1>, vector<1x2048xf32>
    %slice3A_47 = vector.extract_strided_slice %max3A_12 {offsets = [0, 0], sizes = [64, 2048], strides = [1, 1]} : vector<512x2048xf32> to vector<64x2048xf32>
    %concatenate3A = tpu.concatenate %slice3A_47, %select_n3A in 0 : vector<64x2048xf32>, vector<1x2048xf32> -> vector<65x2048xf32>
    %swap3A = arith.constant 0 : index
    %swap3A_48 = arith.constant 0 : index
    %swap3A_49 = arith.constant 0 : index
    %swap3A_50 = vector.load %arg7[%swap3A, %swap3A_48, %swap3A_49] : memref<65x8x2048xf32, #tpu.memory_space<vmem>>, vector<65x1x2048xf32>
    %swap3A_51 = vector.shape_cast %swap3A_50 : vector<65x1x2048xf32> to vector<65x2048xf32>
    %swap3A_52 = vector.shape_cast %concatenate3A : vector<65x2048xf32> to vector<65x1x2048xf32>
    tpu.vector_store %arg7[%swap3A, %swap3A_48, %swap3A_49], %swap3A_52 {strides = array<i32>} : memref<65x8x2048xf32, #tpu.memory_space<vmem>>, vector<65x1x2048xf32>,
    %slice3A_53 = vector.extract_strided_slice %or3A {offsets = [0, 0], sizes = [512, 64], strides = [1, 1]} : vector<512x512xi32> to vector<512x64xi32>
    %slice3A_54 = vector.extract_strided_slice %or3A_32 {offsets = [0, 0], sizes = [512, 64], strides = [1, 1]} : vector<512x512xi32> to vector<512x64xi32>
    %concatenate3A_55 = tpu.concatenate %slice3A_53, %slice3A_54 in 1 : vector<512x64xi32>, vector<512x64xi32> -> vector<512x128xi32>
    %bitcast_convert_type3A_56 = tpu.bitcast %concatenate3A_55 : vector<512x128xi32> -> vector<512x128xf32>
    %swap3A_57 = arith.constant 0 : index
    %swap3A_58 = arith.constant 0 : index
    %swap3A_59 = arith.constant 0 : index
    %swap3A_60 = vector.load %arg8[%swap3A_57, %swap3A_58, %swap3A_59] : memref<8x512x128xf32, #tpu.memory_space<vmem>>, vector<1x512x128xf32>
    %swap3A_61 = vector.shape_cast %swap3A_60 : vector<1x512x128xf32> to vector<512x128xf32>
    %swap3A_62 = vector.shape_cast %bitcast_convert_type3A_56 : vector<512x128xf32> to vector<1x512x128xf32>
    tpu.vector_store %arg8[%swap3A_57, %swap3A_58, %swap3A_59], %swap3A_62 {strides = array<i32>} : memref<8x512x128xf32, #tpu.memory_space<vmem>>, vector<1x512x128xf32>,
    %reduce_sum3A_63 = arith.constant dense<0.000000e+00> : vector<1xf32>
    %reduce_sum3A_64 = vector.multi_reduction <add>, %select_n3A, %reduce_sum3A_63 [1] : vector<1x2048xf32> to vector<1xf32>
    %broadcast_in_dim3A_65 = vector.shape_cast %reduce_sum3A_64 : vector<1xf32> to vector<1x1xf32>
    %slice3A_66 = vector.extract_strided_slice %transpose3A {offsets = [0, 0], sizes = [1, 64], strides = [1, 1]} : vector<1x512xf32> to vector<1x64xf32>
    %concatenate3A_67 = tpu.concatenate %slice3A_66, %broadcast_in_dim3A_65, %broadcast_in_dim3A_35 in 1 : vector<1x64xf32>, vector<1x1xf32>, vector<1x63xf32> -> vector<1x128xf32>
    %eq3A = arith.constant 0 : i32
    %eq3A_68 = arith.cmpi eq, %arg1, %eq3A : i32
    %get3A_69 = arith.constant 0 : index
    %get3A_70 = arith.constant 0 : index
    %get3A_71 = vector.load %arg10[%get3A_69, %get3A_70] : memref<8x128xf32, #tpu.memory_space<vmem>>, vector<1x128xf32>
    %add3A_72 = arith.addf %get3A_71, %concatenate3A_67 : vector<1x128xf32>
    %select_n3A_73 = arith.select %eq3A_68, %concatenate3A_67, %add3A_72 : vector<1x128xf32>
    %swap3A_74 = arith.constant 0 : index
    %swap3A_75 = arith.constant 0 : index
    %swap3A_76 = vector.load %arg10[%swap3A_74, %swap3A_75] : memref<8x128xf32, #tpu.memory_space<vmem>>, vector<1x128xf32>
    tpu.vector_store %arg10[%swap3A_74, %swap3A_75], %select_n3A_73 {strides = array<i32>} : memref<8x128xf32, #tpu.memory_space<vmem>>, vector<1x128xf32>,
    %swap3A_77 = arith.constant 0 : index
    %swap3A_78 = arith.constant 0 : index
    %swap3A_79 = arith.constant 0 : index
    %swap3A_80 = vector.load %arg9[%swap3A_77, %swap3A_78, %swap3A_79] : memref<8x1x128xf32, #tpu.memory_space<vmem>>, vector<1x1x128xf32>
    %swap3A_81 = vector.shape_cast %swap3A_80 : vector<1x1x128xf32> to vector<1x128xf32>
    %swap3A_82 = vector.shape_cast %select_n3A_73 : vector<1x128xf32> to vector<1x1x128xf32>
    tpu.vector_store %arg9[%swap3A_77, %swap3A_78, %swap3A_79], %swap3A_82 {strides = array<i32>} : memref<8x1x128xf32, #tpu.memory_space<vmem>>, vector<1x1x128xf32>,
    %iota3A_83 = tpu.iota {dimensions = array<i32: 1>} : vector<1x2048xi32>
    %mul3A_84 = arith.constant 2048 : i32
    %mul3A_85 = arith.muli %arg1, %mul3A_84 : i32
    %add3A_86 = vector.broadcast %mul3A_85 : i32 to vector<1x2048xi32>
    %add3A_87 = arith.addi %iota3A_83, %add3A_86 : vector<1x2048xi32>
    %lt3A_88 = arith.constant 4086 : i32
    %lt3A_89 = vector.broadcast %lt3A_88 : i32 to vector<1x2048xi32>
    %lt3A_90 = arith.cmpi slt, %add3A_87, %lt3A_89 : vector<1x2048xi32>
    %get3A_91 = arith.constant 1 : index
    %get3A_92 = arith.constant 0 : index
    %get3A_93 = arith.constant 0 : index
    %get3A_94 = vector.load %arg3[%get3A_91, %get3A_92, %get3A_93] : memref<8x1x2048xf32, #tpu.memory_space<vmem>>, vector<1x1x2048xf32>
    %get3A_95 = vector.shape_cast %get3A_94 : vector<1x1x2048xf32> to vector<1x2048xf32>
    %jit3A_96 = arith.constant 0.000000e+00 : f32
    %broadcast_in_dim3A_97 = vector.broadcast %jit3A_96 : f32 to vector<1x2048xf32>
    %select_n3A_98 = arith.select %lt3A_90, %get3A_95, %broadcast_in_dim3A_97 : vector<1x2048xi1>, vector<1x2048xf32>
    %slice3A_99 = vector.extract_strided_slice %max3A_12 {offsets = [64, 0], sizes = [64, 2048], strides = [1, 1]} : vector<512x2048xf32> to vector<64x2048xf32>
    %concatenate3A_100 = tpu.concatenate %slice3A_99, %select_n3A_98 in 0 : vector<64x2048xf32>, vector<1x2048xf32> -> vector<65x2048xf32>
    %swap3A_101 = arith.constant 0 : index
    %swap3A_102 = arith.constant 1 : index
    %swap3A_103 = arith.constant 0 : index
    %swap3A_104 = vector.load %arg7[%swap3A_101, %swap3A_102, %swap3A_103] : memref<65x8x2048xf32, #tpu.memory_space<vmem>>, vector<65x1x2048xf32>
    %swap3A_105 = vector.shape_cast %swap3A_104 : vector<65x1x2048xf32> to vector<65x2048xf32>
    %swap3A_106 = vector.shape_cast %concatenate3A_100 : vector<65x2048xf32> to vector<65x1x2048xf32>
    tpu.vector_store %arg7[%swap3A_101, %swap3A_102, %swap3A_103], %swap3A_106 {strides = array<i32>} : memref<65x8x2048xf32, #tpu.memory_space<vmem>>, vector<65x1x2048xf32>,
    %slice3A_107 = vector.extract_strided_slice %or3A {offsets = [0, 64], sizes = [512, 64], strides = [1, 1]} : vector<512x512xi32> to vector<512x64xi32>
    %slice3A_108 = vector.extract_strided_slice %or3A_32 {offsets = [0, 64], sizes = [512, 64], strides = [1, 1]} : vector<512x512xi32> to vector<512x64xi32>
    %concatenate3A_109 = tpu.concatenate %slice3A_107, %slice3A_108 in 1 : vector<512x64xi32>, vector<512x64xi32> -> vector<512x128xi32>
    %bitcast_convert_type3A_110 = tpu.bitcast %concatenate3A_109 : vector<512x128xi32> -> vector<512x128xf32>
    %swap3A_111 = arith.constant 1 : index
    %swap3A_112 = arith.constant 0 : index
    %swap3A_113 = arith.constant 0 : index
    %swap3A_114 = vector.load %arg8[%swap3A_111, %swap3A_112, %swap3A_113] : memref<8x512x128xf32, #tpu.memory_space<vmem>>, vector<1x512x128xf32>
    %swap3A_115 = vector.shape_cast %swap3A_114 : vector<1x512x128xf32> to vector<512x128xf32>
    %swap3A_116 = vector.shape_cast %bitcast_convert_type3A_110 : vector<512x128xf32> to vector<1x512x128xf32>
    tpu.vector_store %arg8[%swap3A_111, %swap3A_112, %swap3A_113], %swap3A_116 {strides = array<i32>} : memref<8x512x128xf32, #tpu.memory_space<vmem>>, vector<1x512x128xf32>,
    %reduce_sum3A_117 = arith.constant dense<0.000000e+00> : vector<1xf32>
    %reduce_sum3A_118 = vector.multi_reduction <add>, %select_n3A_98, %reduce_sum3A_117 [1] : vector<1x2048xf32> to vector<1xf32>
    %broadcast_in_dim3A_119 = vector.shape_cast %reduce_sum3A_118 : vector<1xf32> to vector<1x1xf32>
    %slice3A_120 = vector.extract_strided_slice %transpose3A {offsets = [0, 64], sizes = [1, 64], strides = [1, 1]} : vector<1x512xf32> to vector<1x64xf32>
    %concatenate3A_121 = tpu.concatenate %slice3A_120, %broadcast_in_dim3A_119, %broadcast_in_dim3A_35 in 1 : vector<1x64xf32>, vector<1x1xf32>, vector<1x63xf32> -> vector<1x128xf32>
    %eq3A_122 = arith.constant 0 : i32
    %eq3A_123 = arith.cmpi eq, %arg1, %eq3A_122 : i32
    %get3A_124 = arith.constant 1 : index
    %get3A_125 = arith.constant 0 : index
    %get3A_126 = vector.load %arg10[%get3A_124, %get3A_125] : memref<8x128xf32, #tpu.memory_space<vmem>>, vector<1x128xf32>
    %add3A_127 = arith.addf %get3A_126, %concatenate3A_121 : vector<1x128xf32>
    %select_n3A_128 = arith.select %eq3A_123, %concatenate3A_121, %add3A_127 : vector<1x128xf32>
    %swap3A_129 = arith.constant 1 : index
    %swap3A_130 = arith.constant 0 : index
    %swap3A_131 = vector.load %arg10[%swap3A_129, %swap3A_130] : memref<8x128xf32, #tpu.memory_space<vmem>>, vector<1x128xf32>
    tpu.vector_store %arg10[%swap3A_129, %swap3A_130], %select_n3A_128 {strides = array<i32>} : memref<8x128xf32, #tpu.memory_space<vmem>>, vector<1x128xf32>,
    %swap3A_132 = arith.constant 1 : index
    %swap3A_133 = arith.constant 0 : index
    %swap3A_134 = arith.constant 0 : index
    %swap3A_135 = vector.load %arg9[%swap3A_132, %swap3A_133, %swap3A_134] : memref<8x1x128xf32, #tpu.memory_space<vmem>>, vector<1x1x128xf32>
    %swap3A_136 = vector.shape_cast %swap3A_135 : vector<1x1x128xf32> to vector<1x128xf32>
    %swap3A_137 = vector.shape_cast %select_n3A_128 : vector<1x128xf32> to vector<1x1x128xf32>
    tpu.vector_store %arg9[%swap3A_132, %swap3A_133, %swap3A_134], %swap3A_137 {strides = array<i32>} : memref<8x1x128xf32, #tpu.memory_space<vmem>>, vector<1x1x128xf32>,
    %iota3A_138 = tpu.iota {dimensions = array<i32: 1>} : vector<1x2048xi32>
    %mul3A_139 = arith.constant 2048 : i32
    %mul3A_140 = arith.muli %arg1, %mul3A_139 : i32
    %add3A_141 = vector.broadcast %mul3A_140 : i32 to vector<1x2048xi32>
    %add3A_142 = arith.addi %iota3A_138, %add3A_141 : vector<1x2048xi32>
    %lt3A_143 = arith.constant 4086 : i32
    %lt3A_144 = vector.broadcast %lt3A_143 : i32 to vector<1x2048xi32>
    %lt3A_145 = arith.cmpi slt, %add3A_142, %lt3A_144 : vector<1x2048xi32>
    %get3A_146 = arith.constant 2 : index
    %get3A_147 = arith.constant 0 : index
    %get3A_148 = arith.constant 0 : index
    %get3A_149 = vector.load %arg3[%get3A_146, %get3A_147, %get3A_148] : memref<8x1x2048xf32, #tpu.memory_space<vmem>>, vector<1x1x2048xf32>
    %get3A_150 = vector.shape_cast %get3A_149 : vector<1x1x2048xf32> to vector<1x2048xf32>
    %jit3A_151 = arith.constant 0.000000e+00 : f32
    %broadcast_in_dim3A_152 = vector.broadcast %jit3A_151 : f32 to vector<1x2048xf32>
    %select_n3A_153 = arith.select %lt3A_145, %get3A_150, %broadcast_in_dim3A_152 : vector<1x2048xi1>, vector<1x2048xf32>
    %slice3A_154 = vector.extract_strided_slice %max3A_12 {offsets = [128, 0], sizes = [64, 2048], strides = [1, 1]} : vector<512x2048xf32> to vector<64x2048xf32>
    %concatenate3A_155 = tpu.concatenate %slice3A_154, %select_n3A_153 in 0 : vector<64x2048xf32>, vector<1x2048xf32> -> vector<65x2048xf32>
    %swap3A_156 = arith.constant 0 : index
    %swap3A_157 = arith.constant 2 : index
    %swap3A_158 = arith.constant 0 : index
    %swap3A_159 = vector.load %arg7[%swap3A_156, %swap3A_157, %swap3A_158] : memref<65x8x2048xf32, #tpu.memory_space<vmem>>, vector<65x1x2048xf32>
    %swap3A_160 = vector.shape_cast %swap3A_159 : vector<65x1x2048xf32> to vector<65x2048xf32>
    %swap3A_161 = vector.shape_cast %concatenate3A_155 : vector<65x2048xf32> to vector<65x1x2048xf32>
    tpu.vector_store %arg7[%swap3A_156, %swap3A_157, %swap3A_158], %swap3A_161 {strides = array<i32>} : memref<65x8x2048xf32, #tpu.memory_space<vmem>>, vector<65x1x2048xf32>,
    %slice3A_162 = vector.extract_strided_slice %or3A {offsets = [0, 128], sizes = [512, 64], strides = [1, 1]} : vector<512x512xi32> to vector<512x64xi32>
    %slice3A_163 = vector.extract_strided_slice %or3A_32 {offsets = [0, 128], sizes = [512, 64], strides = [1, 1]} : vector<512x512xi32> to vector<512x64xi32>
    %concatenate3A_164 = tpu.concatenate %slice3A_162, %slice3A_163 in 1 : vector<512x64xi32>, vector<512x64xi32> -> vector<512x128xi32>
    %bitcast_convert_type3A_165 = tpu.bitcast %concatenate3A_164 : vector<512x128xi32> -> vector<512x128xf32>
    %swap3A_166 = arith.constant 2 : index
    %swap3A_167 = arith.constant 0 : index
    %swap3A_168 = arith.constant 0 : index
    %swap3A_169 = vector.load %arg8[%swap3A_166, %swap3A_167, %swap3A_168] : memref<8x512x128xf32, #tpu.memory_space<vmem>>, vector<1x512x128xf32>
    %swap3A_170 = vector.shape_cast %swap3A_169 : vector<1x512x128xf32> to vector<512x128xf32>
    %swap3A_171 = vector.shape_cast %bitcast_convert_type3A_165 : vector<512x128xf32> to vector<1x512x128xf32>
    tpu.vector_store %arg8[%swap3A_166, %swap3A_167, %swap3A_168], %swap3A_171 {strides = array<i32>} : memref<8x512x128xf32, #tpu.memory_space<vmem>>, vector<1x512x128xf32>,
    %reduce_sum3A_172 = arith.constant dense<0.000000e+00> : vector<1xf32>
    %reduce_sum3A_173 = vector.multi_reduction <add>, %select_n3A_153, %reduce_sum3A_172 [1] : vector<1x2048xf32> to vector<1xf32>
    %broadcast_in_dim3A_174 = vector.shape_cast %reduce_sum3A_173 : vector<1xf32> to vector<1x1xf32>
    %slice3A_175 = vector.extract_strided_slice %transpose3A {offsets = [0, 128], sizes = [1, 64], strides = [1, 1]} : vector<1x512xf32> to vector<1x64xf32>
    %concatenate3A_176 = tpu.concatenate %slice3A_175, %broadcast_in_dim3A_174, %broadcast_in_dim3A_35 in 1 : vector<1x64xf32>, vector<1x1xf32>, vector<1x63xf32> -> vector<1x128xf32>
    %eq3A_177 = arith.constant 0 : i32
    %eq3A_178 = arith.cmpi eq, %arg1, %eq3A_177 : i32
    %get3A_179 = arith.constant 2 : index
    %get3A_180 = arith.constant 0 : index
    %get3A_181 = vector.load %arg10[%get3A_179, %get3A_180] : memref<8x128xf32, #tpu.memory_space<vmem>>, vector<1x128xf32>
    %add3A_182 = arith.addf %get3A_181, %concatenate3A_176 : vector<1x128xf32>
    %select_n3A_183 = arith.select %eq3A_178, %concatenate3A_176, %add3A_182 : vector<1x128xf32>
    %swap3A_184 = arith.constant 2 : index
    %swap3A_185 = arith.constant 0 : index
    %swap3A_186 = vector.load %arg10[%swap3A_184, %swap3A_185] : memref<8x128xf32, #tpu.memory_space<vmem>>, vector<1x128xf32>
    tpu.vector_store %arg10[%swap3A_184, %swap3A_185], %select_n3A_183 {strides = array<i32>} : memref<8x128xf32, #tpu.memory_space<vmem>>, vector<1x128xf32>,
    %swap3A_187 = arith.constant 2 : index
    %swap3A_188 = arith.constant 0 : index
    %swap3A_189 = arith.constant 0 : index
    %swap3A_190 = vector.load %arg9[%swap3A_187, %swap3A_188, %swap3A_189] : memref<8x1x128xf32, #tpu.memory_space<vmem>>, vector<1x1x128xf32>
    %swap3A_191 = vector.shape_cast %swap3A_190 : vector<1x1x128xf32> to vector<1x128xf32>
    %swap3A_192 = vector.shape_cast %select_n3A_183 : vector<1x128xf32> to vector<1x1x128xf32>
    tpu.vector_store %arg9[%swap3A_187, %swap3A_188, %swap3A_189], %swap3A_192 {strides = array<i32>} : memref<8x1x128xf32, #tpu.memory_space<vmem>>, vector<1x1x128xf32>,
    %iota3A_193 = tpu.iota {dimensions = array<i32: 1>} : vector<1x2048xi32>
    %mul3A_194 = arith.constant 2048 : i32
    %mul3A_195 = arith.muli %arg1, %mul3A_194 : i32
    %add3A_196 = vector.broadcast %mul3A_195 : i32 to vector<1x2048xi32>
    %add3A_197 = arith.addi %iota3A_193, %add3A_196 : vector<1x2048xi32>
    %lt3A_198 = arith.constant 4086 : i32
    %lt3A_199 = vector.broadcast %lt3A_198 : i32 to vector<1x2048xi32>
    %lt3A_200 = arith.cmpi slt, %add3A_197, %lt3A_199 : vector<1x2048xi32>
    %get3A_201 = arith.constant 3 : index
    %get3A_202 = arith.constant 0 : index
    %get3A_203 = arith.constant 0 : index
    %get3A_204 = vector.load %arg3[%get3A_201, %get3A_202, %get3A_203] : memref<8x1x2048xf32, #tpu.memory_space<vmem>>, vector<1x1x2048xf32>
    %get3A_205 = vector.shape_cast %get3A_204 : vector<1x1x2048xf32> to vector<1x2048xf32>
    %jit3A_206 = arith.constant 0.000000e+00 : f32
    %broadcast_in_dim3A_207 = vector.broadcast %jit3A_206 : f32 to vector<1x2048xf32>
    %select_n3A_208 = arith.select %lt3A_200, %get3A_205, %broadcast_in_dim3A_207 : vector<1x2048xi1>, vector<1x2048xf32>
    %slice3A_209 = vector.extract_strided_slice %max3A_12 {offsets = [192, 0], sizes = [64, 2048], strides = [1, 1]} : vector<512x2048xf32> to vector<64x2048xf32>
    %concatenate3A_210 = tpu.concatenate %slice3A_209, %select_n3A_208 in 0 : vector<64x2048xf32>, vector<1x2048xf32> -> vector<65x2048xf32>
    %swap3A_211 = arith.constant 0 : index
    %swap3A_212 = arith.constant 3 : index
    %swap3A_213 = arith.constant 0 : index
    %swap3A_214 = vector.load %arg7[%swap3A_211, %swap3A_212, %swap3A_213] : memref<65x8x2048xf32, #tpu.memory_space<vmem>>, vector<65x1x2048xf32>
    %swap3A_215 = vector.shape_cast %swap3A_214 : vector<65x1x2048xf32> to vector<65x2048xf32>
    %swap3A_216 = vector.shape_cast %concatenate3A_210 : vector<65x2048xf32> to vector<65x1x2048xf32>
    tpu.vector_store %arg7[%swap3A_211, %swap3A_212, %swap3A_213], %swap3A_216 {strides = array<i32>} : memref<65x8x2048xf32, #tpu.memory_space<vmem>>, vector<65x1x2048xf32>,
    %slice3A_217 = vector.extract_strided_slice %or3A {offsets = [0, 192], sizes = [512, 64], strides = [1, 1]} : vector<512x512xi32> to vector<512x64xi32>
    %slice3A_218 = vector.extract_strided_slice %or3A_32 {offsets = [0, 192], sizes = [512, 64], strides = [1, 1]} : vector<512x512xi32> to vector<512x64xi32>
    %concatenate3A_219 = tpu.concatenate %slice3A_217, %slice3A_218 in 1 : vector<512x64xi32>, vector<512x64xi32> -> vector<512x128xi32>
    %bitcast_convert_type3A_220 = tpu.bitcast %concatenate3A_219 : vector<512x128xi32> -> vector<512x128xf32>
    %swap3A_221 = arith.constant 3 : index
    %swap3A_222 = arith.constant 0 : index
    %swap3A_223 = arith.constant 0 : index
    %swap3A_224 = vector.load %arg8[%swap3A_221, %swap3A_222, %swap3A_223] : memref<8x512x128xf32, #tpu.memory_space<vmem>>, vector<1x512x128xf32>
    %swap3A_225 = vector.shape_cast %swap3A_224 : vector<1x512x128xf32> to vector<512x128xf32>
    %swap3A_226 = vector.shape_cast %bitcast_convert_type3A_220 : vector<512x128xf32> to vector<1x512x128xf32>
    tpu.vector_store %arg8[%swap3A_221, %swap3A_222, %swap3A_223], %swap3A_226 {strides = array<i32>} : memref<8x512x128xf32, #tpu.memory_space<vmem>>, vector<1x512x128xf32>,
    %reduce_sum3A_227 = arith.constant dense<0.000000e+00> : vector<1xf32>
    %reduce_sum3A_228 = vector.multi_reduction <add>, %select_n3A_208, %reduce_sum3A_227 [1] : vector<1x2048xf32> to vector<1xf32>
    %broadcast_in_dim3A_229 = vector.shape_cast %reduce_sum3A_228 : vector<1xf32> to vector<1x1xf32>
    %slice3A_230 = vector.extract_strided_slice %transpose3A {offsets = [0, 192], sizes = [1, 64], strides = [1, 1]} : vector<1x512xf32> to vector<1x64xf32>
    %concatenate3A_231 = tpu.concatenate %slice3A_230, %broadcast_in_dim3A_229, %broadcast_in_dim3A_35 in 1 : vector<1x64xf32>, vector<1x1xf32>, vector<1x63xf32> -> vector<1x128xf32>
    %eq3A_232 = arith.constant 0 : i32
    %eq3A_233 = arith.cmpi eq, %arg1, %eq3A_232 : i32
    %get3A_234 = arith.constant 3 : index
    %get3A_235 = arith.constant 0 : index
    %get3A_236 = vector.load %arg10[%get3A_234, %get3A_235] : memref<8x128xf32, #tpu.memory_space<vmem>>, vector<1x128xf32>
    %add3A_237 = arith.addf %get3A_236, %concatenate3A_231 : vector<1x128xf32>
    %select_n3A_238 = arith.select %eq3A_233, %concatenate3A_231, %add3A_237 : vector<1x128xf32>
    %swap3A_239 = arith.constant 3 : index
    %swap3A_240 = arith.constant 0 : index
    %swap3A_241 = vector.load %arg10[%swap3A_239, %swap3A_240] : memref<8x128xf32, #tpu.memory_space<vmem>>, vector<1x128xf32>
    tpu.vector_store %arg10[%swap3A_239, %swap3A_240], %select_n3A_238 {strides = array<i32>} : memref<8x128xf32, #tpu.memory_space<vmem>>, vector<1x128xf32>,
    %swap3A_242 = arith.constant 3 : index
    %swap3A_243 = arith.constant 0 : index
    %swap3A_244 = arith.constant 0 : index
    %swap3A_245 = vector.load %arg9[%swap3A_242, %swap3A_243, %swap3A_244] : memref<8x1x128xf32, #tpu.memory_space<vmem>>, vector<1x1x128xf32>
    %swap3A_246 = vector.shape_cast %swap3A_245 : vector<1x1x128xf32> to vector<1x128xf32>
    %swap3A_247 = vector.shape_cast %select_n3A_238 : vector<1x128xf32> to vector<1x1x128xf32>
    tpu.vector_store %arg9[%swap3A_242, %swap3A_243, %swap3A_244], %swap3A_247 {strides = array<i32>} : memref<8x1x128xf32, #tpu.memory_space<vmem>>, vector<1x1x128xf32>,
    %iota3A_248 = tpu.iota {dimensions = array<i32: 1>} : vector<1x2048xi32>
    %mul3A_249 = arith.constant 2048 : i32
    %mul3A_250 = arith.muli %arg1, %mul3A_249 : i32
    %add3A_251 = vector.broadcast %mul3A_250 : i32 to vector<1x2048xi32>
    %add3A_252 = arith.addi %iota3A_248, %add3A_251 : vector<1x2048xi32>
    %lt3A_253 = arith.constant 4086 : i32
    %lt3A_254 = vector.broadcast %lt3A_253 : i32 to vector<1x2048xi32>
    %lt3A_255 = arith.cmpi slt, %add3A_252, %lt3A_254 : vector<1x2048xi32>
    %get3A_256 = arith.constant 4 : index
    %get3A_257 = arith.constant 0 : index
    %get3A_258 = arith.constant 0 : index
    %get3A_259 = vector.load %arg3[%get3A_256, %get3A_257, %get3A_258] : memref<8x1x2048xf32, #tpu.memory_space<vmem>>, vector<1x1x2048xf32>
    %get3A_260 = vector.shape_cast %get3A_259 : vector<1x1x2048xf32> to vector<1x2048xf32>
    %jit3A_261 = arith.constant 0.000000e+00 : f32
    %broadcast_in_dim3A_262 = vector.broadcast %jit3A_261 : f32 to vector<1x2048xf32>
    %select_n3A_263 = arith.select %lt3A_255, %get3A_260, %broadcast_in_dim3A_262 : vector<1x2048xi1>, vector<1x2048xf32>
    %slice3A_264 = vector.extract_strided_slice %max3A_12 {offsets = [256, 0], sizes = [64, 2048], strides = [1, 1]} : vector<512x2048xf32> to vector<64x2048xf32>
    %concatenate3A_265 = tpu.concatenate %slice3A_264, %select_n3A_263 in 0 : vector<64x2048xf32>, vector<1x2048xf32> -> vector<65x2048xf32>
    %swap3A_266 = arith.constant 0 : index
    %swap3A_267 = arith.constant 4 : index
    %swap3A_268 = arith.constant 0 : index
    %swap3A_269 = vector.load %arg7[%swap3A_266, %swap3A_267, %swap3A_268] : memref<65x8x2048xf32, #tpu.memory_space<vmem>>, vector<65x1x2048xf32>
    %swap3A_270 = vector.shape_cast %swap3A_269 : vector<65x1x2048xf32> to vector<65x2048xf32>
    %swap3A_271 = vector.shape_cast %concatenate3A_265 : vector<65x2048xf32> to vector<65x1x2048xf32>
    tpu.vector_store %arg7[%swap3A_266, %swap3A_267, %swap3A_268], %swap3A_271 {strides = array<i32>} : memref<65x8x2048xf32, #tpu.memory_space<vmem>>, vector<65x1x2048xf32>,
    %slice3A_272 = vector.extract_strided_slice %or3A {offsets = [0, 256], sizes = [512, 64], strides = [1, 1]} : vector<512x512xi32> to vector<512x64xi32>
    %slice3A_273 = vector.extract_strided_slice %or3A_32 {offsets = [0, 256], sizes = [512, 64], strides = [1, 1]} : vector<512x512xi32> to vector<512x64xi32>
    %concatenate3A_274 = tpu.concatenate %slice3A_272, %slice3A_273 in 1 : vector<512x64xi32>, vector<512x64xi32> -> vector<512x128xi32>
    %bitcast_convert_type3A_275 = tpu.bitcast %concatenate3A_274 : vector<512x128xi32> -> vector<512x128xf32>
    %swap3A_276 = arith.constant 4 : index
    %swap3A_277 = arith.constant 0 : index
    %swap3A_278 = arith.constant 0 : index
    %swap3A_279 = vector.load %arg8[%swap3A_276, %swap3A_277, %swap3A_278] : memref<8x512x128xf32, #tpu.memory_space<vmem>>, vector<1x512x128xf32>
    %swap3A_280 = vector.shape_cast %swap3A_279 : vector<1x512x128xf32> to vector<512x128xf32>
    %swap3A_281 = vector.shape_cast %bitcast_convert_type3A_275 : vector<512x128xf32> to vector<1x512x128xf32>
    tpu.vector_store %arg8[%swap3A_276, %swap3A_277, %swap3A_278], %swap3A_281 {strides = array<i32>} : memref<8x512x128xf32, #tpu.memory_space<vmem>>, vector<1x512x128xf32>,
    %reduce_sum3A_282 = arith.constant dense<0.000000e+00> : vector<1xf32>
    %reduce_sum3A_283 = vector.multi_reduction <add>, %select_n3A_263, %reduce_sum3A_282 [1] : vector<1x2048xf32> to vector<1xf32>
    %broadcast_in_dim3A_284 = vector.shape_cast %reduce_sum3A_283 : vector<1xf32> to vector<1x1xf32>
    %slice3A_285 = vector.extract_strided_slice %transpose3A {offsets = [0, 256], sizes = [1, 64], strides = [1, 1]} : vector<1x512xf32> to vector<1x64xf32>
    %concatenate3A_286 = tpu.concatenate %slice3A_285, %broadcast_in_dim3A_284, %broadcast_in_dim3A_35 in 1 : vector<1x64xf32>, vector<1x1xf32>, vector<1x63xf32> -> vector<1x128xf32>
    %eq3A_287 = arith.constant 0 : i32
    %eq3A_288 = arith.cmpi eq, %arg1, %eq3A_287 : i32
    %get3A_289 = arith.constant 4 : index
    %get3A_290 = arith.constant 0 : index
    %get3A_291 = vector.load %arg10[%get3A_289, %get3A_290] : memref<8x128xf32, #tpu.memory_space<vmem>>, vector<1x128xf32>
    %add3A_292 = arith.addf %get3A_291, %concatenate3A_286 : vector<1x128xf32>
    %select_n3A_293 = arith.select %eq3A_288, %concatenate3A_286, %add3A_292 : vector<1x128xf32>
    %swap3A_294 = arith.constant 4 : index
    %swap3A_295 = arith.constant 0 : index
    %swap3A_296 = vector.load %arg10[%swap3A_294, %swap3A_295] : memref<8x128xf32, #tpu.memory_space<vmem>>, vector<1x128xf32>
    tpu.vector_store %arg10[%swap3A_294, %swap3A_295], %select_n3A_293 {strides = array<i32>} : memref<8x128xf32, #tpu.memory_space<vmem>>, vector<1x128xf32>,
    %swap3A_297 = arith.constant 4 : index
    %swap3A_298 = arith.constant 0 : index
    %swap3A_299 = arith.constant 0 : index
    %swap3A_300 = vector.load %arg9[%swap3A_297, %swap3A_298, %swap3A_299] : memref<8x1x128xf32, #tpu.memory_space<vmem>>, vector<1x1x128xf32>
    %swap3A_301 = vector.shape_cast %swap3A_300 : vector<1x1x128xf32> to vector<1x128xf32>
    %swap3A_302 = vector.shape_cast %select_n3A_293 : vector<1x128xf32> to vector<1x1x128xf32>
    tpu.vector_store %arg9[%swap3A_297, %swap3A_298, %swap3A_299], %swap3A_302 {strides = array<i32>} : memref<8x1x128xf32, #tpu.memory_space<vmem>>, vector<1x1x128xf32>,
    %iota3A_303 = tpu.iota {dimensions = array<i32: 1>} : vector<1x2048xi32>
    %mul3A_304 = arith.constant 2048 : i32
    %mul3A_305 = arith.muli %arg1, %mul3A_304 : i32
    %add3A_306 = vector.broadcast %mul3A_305 : i32 to vector<1x2048xi32>
    %add3A_307 = arith.addi %iota3A_303, %add3A_306 : vector<1x2048xi32>
    %lt3A_308 = arith.constant 4086 : i32
    %lt3A_309 = vector.broadcast %lt3A_308 : i32 to vector<1x2048xi32>
    %lt3A_310 = arith.cmpi slt, %add3A_307, %lt3A_309 : vector<1x2048xi32>
    %get3A_311 = arith.constant 5 : index
    %get3A_312 = arith.constant 0 : index
    %get3A_313 = arith.constant 0 : index
    %get3A_314 = vector.load %arg3[%get3A_311, %get3A_312, %get3A_313] : memref<8x1x2048xf32, #tpu.memory_space<vmem>>, vector<1x1x2048xf32>
    %get3A_315 = vector.shape_cast %get3A_314 : vector<1x1x2048xf32> to vector<1x2048xf32>
    %jit3A_316 = arith.constant 0.000000e+00 : f32
    %broadcast_in_dim3A_317 = vector.broadcast %jit3A_316 : f32 to vector<1x2048xf32>
    %select_n3A_318 = arith.select %lt3A_310, %get3A_315, %broadcast_in_dim3A_317 : vector<1x2048xi1>, vector<1x2048xf32>
    %slice3A_319 = vector.extract_strided_slice %max3A_12 {offsets = [320, 0], sizes = [64, 2048], strides = [1, 1]} : vector<512x2048xf32> to vector<64x2048xf32>
    %concatenate3A_320 = tpu.concatenate %slice3A_319, %select_n3A_318 in 0 : vector<64x2048xf32>, vector<1x2048xf32> -> vector<65x2048xf32>
    %swap3A_321 = arith.constant 0 : index
    %swap3A_322 = arith.constant 5 : index
    %swap3A_323 = arith.constant 0 : index
    %swap3A_324 = vector.load %arg7[%swap3A_321, %swap3A_322, %swap3A_323] : memref<65x8x2048xf32, #tpu.memory_space<vmem>>, vector<65x1x2048xf32>
    %swap3A_325 = vector.shape_cast %swap3A_324 : vector<65x1x2048xf32> to vector<65x2048xf32>
    %swap3A_326 = vector.shape_cast %concatenate3A_320 : vector<65x2048xf32> to vector<65x1x2048xf32>
    tpu.vector_store %arg7[%swap3A_321, %swap3A_322, %swap3A_323], %swap3A_326 {strides = array<i32>} : memref<65x8x2048xf32, #tpu.memory_space<vmem>>, vector<65x1x2048xf32>,
    %slice3A_327 = vector.extract_strided_slice %or3A {offsets = [0, 320], sizes = [512, 64], strides = [1, 1]} : vector<512x512xi32> to vector<512x64xi32>
    %slice3A_328 = vector.extract_strided_slice %or3A_32 {offsets = [0, 320], sizes = [512, 64], strides = [1, 1]} : vector<512x512xi32> to vector<512x64xi32>
    %concatenate3A_329 = tpu.concatenate %slice3A_327, %slice3A_328 in 1 : vector<512x64xi32>, vector<512x64xi32> -> vector<512x128xi32>
    %bitcast_convert_type3A_330 = tpu.bitcast %concatenate3A_329 : vector<512x128xi32> -> vector<512x128xf32>
    %swap3A_331 = arith.constant 5 : index
    %swap3A_332 = arith.constant 0 : index
    %swap3A_333 = arith.constant 0 : index
    %swap3A_334 = vector.load %arg8[%swap3A_331, %swap3A_332, %swap3A_333] : memref<8x512x128xf32, #tpu.memory_space<vmem>>, vector<1x512x128xf32>
    %swap3A_335 = vector.shape_cast %swap3A_334 : vector<1x512x128xf32> to vector<512x128xf32>
    %swap3A_336 = vector.shape_cast %bitcast_convert_type3A_330 : vector<512x128xf32> to vector<1x512x128xf32>
    tpu.vector_store %arg8[%swap3A_331, %swap3A_332, %swap3A_333], %swap3A_336 {strides = array<i32>} : memref<8x512x128xf32, #tpu.memory_space<vmem>>, vector<1x512x128xf32>,
    %reduce_sum3A_337 = arith.constant dense<0.000000e+00> : vector<1xf32>
    %reduce_sum3A_338 = vector.multi_reduction <add>, %select_n3A_318, %reduce_sum3A_337 [1] : vector<1x2048xf32> to vector<1xf32>
    %broadcast_in_dim3A_339 = vector.shape_cast %reduce_sum3A_338 : vector<1xf32> to vector<1x1xf32>
    %slice3A_340 = vector.extract_strided_slice %transpose3A {offsets = [0, 320], sizes = [1, 64], strides = [1, 1]} : vector<1x512xf32> to vector<1x64xf32>
    %concatenate3A_341 = tpu.concatenate %slice3A_340, %broadcast_in_dim3A_339, %broadcast_in_dim3A_35 in 1 : vector<1x64xf32>, vector<1x1xf32>, vector<1x63xf32> -> vector<1x128xf32>
    %eq3A_342 = arith.constant 0 : i32
    %eq3A_343 = arith.cmpi eq, %arg1, %eq3A_342 : i32
    %get3A_344 = arith.constant 5 : index
    %get3A_345 = arith.constant 0 : index
    %get3A_346 = vector.load %arg10[%get3A_344, %get3A_345] : memref<8x128xf32, #tpu.memory_space<vmem>>, vector<1x128xf32>
    %add3A_347 = arith.addf %get3A_346, %concatenate3A_341 : vector<1x128xf32>
    %select_n3A_348 = arith.select %eq3A_343, %concatenate3A_341, %add3A_347 : vector<1x128xf32>
    %swap3A_349 = arith.constant 5 : index
    %swap3A_350 = arith.constant 0 : index
    %swap3A_351 = vector.load %arg10[%swap3A_349, %swap3A_350] : memref<8x128xf32, #tpu.memory_space<vmem>>, vector<1x128xf32>
    tpu.vector_store %arg10[%swap3A_349, %swap3A_350], %select_n3A_348 {strides = array<i32>} : memref<8x128xf32, #tpu.memory_space<vmem>>, vector<1x128xf32>,
    %swap3A_352 = arith.constant 5 : index
    %swap3A_353 = arith.constant 0 : index
    %swap3A_354 = arith.constant 0 : index
    %swap3A_355 = vector.load %arg9[%swap3A_352, %swap3A_353, %swap3A_354] : memref<8x1x128xf32, #tpu.memory_space<vmem>>, vector<1x1x128xf32>
    %swap3A_356 = vector.shape_cast %swap3A_355 : vector<1x1x128xf32> to vector<1x128xf32>
    %swap3A_357 = vector.shape_cast %select_n3A_348 : vector<1x128xf32> to vector<1x1x128xf32>
    tpu.vector_store %arg9[%swap3A_352, %swap3A_353, %swap3A_354], %swap3A_357 {strides = array<i32>} : memref<8x1x128xf32, #tpu.memory_space<vmem>>, vector<1x1x128xf32>,
    %iota3A_358 = tpu.iota {dimensions = array<i32: 1>} : vector<1x2048xi32>
    %mul3A_359 = arith.constant 2048 : i32
    %mul3A_360 = arith.muli %arg1, %mul3A_359 : i32
    %add3A_361 = vector.broadcast %mul3A_360 : i32 to vector<1x2048xi32>
    %add3A_362 = arith.addi %iota3A_358, %add3A_361 : vector<1x2048xi32>
    %lt3A_363 = arith.constant 4086 : i32
    %lt3A_364 = vector.broadcast %lt3A_363 : i32 to vector<1x2048xi32>
    %lt3A_365 = arith.cmpi slt, %add3A_362, %lt3A_364 : vector<1x2048xi32>
    %get3A_366 = arith.constant 6 : index
    %get3A_367 = arith.constant 0 : index
    %get3A_368 = arith.constant 0 : index
    %get3A_369 = vector.load %arg3[%get3A_366, %get3A_367, %get3A_368] : memref<8x1x2048xf32, #tpu.memory_space<vmem>>, vector<1x1x2048xf32>
    %get3A_370 = vector.shape_cast %get3A_369 : vector<1x1x2048xf32> to vector<1x2048xf32>
    %jit3A_371 = arith.constant 0.000000e+00 : f32
    %broadcast_in_dim3A_372 = vector.broadcast %jit3A_371 : f32 to vector<1x2048xf32>
    %select_n3A_373 = arith.select %lt3A_365, %get3A_370, %broadcast_in_dim3A_372 : vector<1x2048xi1>, vector<1x2048xf32>
    %slice3A_374 = vector.extract_strided_slice %max3A_12 {offsets = [384, 0], sizes = [64, 2048], strides = [1, 1]} : vector<512x2048xf32> to vector<64x2048xf32>
    %concatenate3A_375 = tpu.concatenate %slice3A_374, %select_n3A_373 in 0 : vector<64x2048xf32>, vector<1x2048xf32> -> vector<65x2048xf32>
    %swap3A_376 = arith.constant 0 : index
    %swap3A_377 = arith.constant 6 : index
    %swap3A_378 = arith.constant 0 : index
    %swap3A_379 = vector.load %arg7[%swap3A_376, %swap3A_377, %swap3A_378] : memref<65x8x2048xf32, #tpu.memory_space<vmem>>, vector<65x1x2048xf32>
    %swap3A_380 = vector.shape_cast %swap3A_379 : vector<65x1x2048xf32> to vector<65x2048xf32>
    %swap3A_381 = vector.shape_cast %concatenate3A_375 : vector<65x2048xf32> to vector<65x1x2048xf32>
    tpu.vector_store %arg7[%swap3A_376, %swap3A_377, %swap3A_378], %swap3A_381 {strides = array<i32>} : memref<65x8x2048xf32, #tpu.memory_space<vmem>>, vector<65x1x2048xf32>,
    %slice3A_382 = vector.extract_strided_slice %or3A {offsets = [0, 384], sizes = [512, 64], strides = [1, 1]} : vector<512x512xi32> to vector<512x64xi32>
    %slice3A_383 = vector.extract_strided_slice %or3A_32 {offsets = [0, 384], sizes = [512, 64], strides = [1, 1]} : vector<512x512xi32> to vector<512x64xi32>
    %concatenate3A_384 = tpu.concatenate %slice3A_382, %slice3A_383 in 1 : vector<512x64xi32>, vector<512x64xi32> -> vector<512x128xi32>
    %bitcast_convert_type3A_385 = tpu.bitcast %concatenate3A_384 : vector<512x128xi32> -> vector<512x128xf32>
    %swap3A_386 = arith.constant 6 : index
    %swap3A_387 = arith.constant 0 : index
    %swap3A_388 = arith.constant 0 : index
    %swap3A_389 = vector.load %arg8[%swap3A_386, %swap3A_387, %swap3A_388] : memref<8x512x128xf32, #tpu.memory_space<vmem>>, vector<1x512x128xf32>
    %swap3A_390 = vector.shape_cast %swap3A_389 : vector<1x512x128xf32> to vector<512x128xf32>
    %swap3A_391 = vector.shape_cast %bitcast_convert_type3A_385 : vector<512x128xf32> to vector<1x512x128xf32>
    tpu.vector_store %arg8[%swap3A_386, %swap3A_387, %swap3A_388], %swap3A_391 {strides = array<i32>} : memref<8x512x128xf32, #tpu.memory_space<vmem>>, vector<1x512x128xf32>,
    %reduce_sum3A_392 = arith.constant dense<0.000000e+00> : vector<1xf32>
    %reduce_sum3A_393 = vector.multi_reduction <add>, %select_n3A_373, %reduce_sum3A_392 [1] : vector<1x2048xf32> to vector<1xf32>
    %broadcast_in_dim3A_394 = vector.shape_cast %reduce_sum3A_393 : vector<1xf32> to vector<1x1xf32>
    %slice3A_395 = vector.extract_strided_slice %transpose3A {offsets = [0, 384], sizes = [1, 64], strides = [1, 1]} : vector<1x512xf32> to vector<1x64xf32>
    %concatenate3A_396 = tpu.concatenate %slice3A_395, %broadcast_in_dim3A_394, %broadcast_in_dim3A_35 in 1 : vector<1x64xf32>, vector<1x1xf32>, vector<1x63xf32> -> vector<1x128xf32>
    %eq3A_397 = arith.constant 0 : i32
    %eq3A_398 = arith.cmpi eq, %arg1, %eq3A_397 : i32
    %get3A_399 = arith.constant 6 : index
    %get3A_400 = arith.constant 0 : index
    %get3A_401 = vector.load %arg10[%get3A_399, %get3A_400] : memref<8x128xf32, #tpu.memory_space<vmem>>, vector<1x128xf32>
    %add3A_402 = arith.addf %get3A_401, %concatenate3A_396 : vector<1x128xf32>
    %select_n3A_403 = arith.select %eq3A_398, %concatenate3A_396, %add3A_402 : vector<1x128xf32>
    %swap3A_404 = arith.constant 6 : index
    %swap3A_405 = arith.constant 0 : index
    %swap3A_406 = vector.load %arg10[%swap3A_404, %swap3A_405] : memref<8x128xf32, #tpu.memory_space<vmem>>, vector<1x128xf32>
    tpu.vector_store %arg10[%swap3A_404, %swap3A_405], %select_n3A_403 {strides = array<i32>} : memref<8x128xf32, #tpu.memory_space<vmem>>, vector<1x128xf32>,
    %swap3A_407 = arith.constant 6 : index
    %swap3A_408 = arith.constant 0 : index
    %swap3A_409 = arith.constant 0 : index
    %swap3A_410 = vector.load %arg9[%swap3A_407, %swap3A_408, %swap3A_409] : memref<8x1x128xf32, #tpu.memory_space<vmem>>, vector<1x1x128xf32>
    %swap3A_411 = vector.shape_cast %swap3A_410 : vector<1x1x128xf32> to vector<1x128xf32>
    %swap3A_412 = vector.shape_cast %select_n3A_403 : vector<1x128xf32> to vector<1x1x128xf32>
    tpu.vector_store %arg9[%swap3A_407, %swap3A_408, %swap3A_409], %swap3A_412 {strides = array<i32>} : memref<8x1x128xf32, #tpu.memory_space<vmem>>, vector<1x1x128xf32>,
    %iota3A_413 = tpu.iota {dimensions = array<i32: 1>} : vector<1x2048xi32>
    %mul3A_414 = arith.constant 2048 : i32
    %mul3A_415 = arith.muli %arg1, %mul3A_414 : i32
    %add3A_416 = vector.broadcast %mul3A_415 : i32 to vector<1x2048xi32>
    %add3A_417 = arith.addi %iota3A_413, %add3A_416 : vector<1x2048xi32>
    %lt3A_418 = arith.constant 4086 : i32
    %lt3A_419 = vector.broadcast %lt3A_418 : i32 to vector<1x2048xi32>
    %lt3A_420 = arith.cmpi slt, %add3A_417, %lt3A_419 : vector<1x2048xi32>
    %get3A_421 = arith.constant 7 : index
    %get3A_422 = arith.constant 0 : index
    %get3A_423 = arith.constant 0 : index
    %get3A_424 = vector.load %arg3[%get3A_421, %get3A_422, %get3A_423] : memref<8x1x2048xf32, #tpu.memory_space<vmem>>, vector<1x1x2048xf32>
    %get3A_425 = vector.shape_cast %get3A_424 : vector<1x1x2048xf32> to vector<1x2048xf32>
    %jit3A_426 = arith.constant 0.000000e+00 : f32
    %broadcast_in_dim3A_427 = vector.broadcast %jit3A_426 : f32 to vector<1x2048xf32>
    %select_n3A_428 = arith.select %lt3A_420, %get3A_425, %broadcast_in_dim3A_427 : vector<1x2048xi1>, vector<1x2048xf32>
    %slice3A_429 = vector.extract_strided_slice %max3A_12 {offsets = [448, 0], sizes = [64, 2048], strides = [1, 1]} : vector<512x2048xf32> to vector<64x2048xf32>
    %concatenate3A_430 = tpu.concatenate %slice3A_429, %select_n3A_428 in 0 : vector<64x2048xf32>, vector<1x2048xf32> -> vector<65x2048xf32>
    %swap3A_431 = arith.constant 0 : index
    %swap3A_432 = arith.constant 7 : index
    %swap3A_433 = arith.constant 0 : index
    %swap3A_434 = vector.load %arg7[%swap3A_431, %swap3A_432, %swap3A_433] : memref<65x8x2048xf32, #tpu.memory_space<vmem>>, vector<65x1x2048xf32>
    %swap3A_435 = vector.shape_cast %swap3A_434 : vector<65x1x2048xf32> to vector<65x2048xf32>
    %swap3A_436 = vector.shape_cast %concatenate3A_430 : vector<65x2048xf32> to vector<65x1x2048xf32>
    tpu.vector_store %arg7[%swap3A_431, %swap3A_432, %swap3A_433], %swap3A_436 {strides = array<i32>} : memref<65x8x2048xf32, #tpu.memory_space<vmem>>, vector<65x1x2048xf32>,
    %slice3A_437 = vector.extract_strided_slice %or3A {offsets = [0, 448], sizes = [512, 64], strides = [1, 1]} : vector<512x512xi32> to vector<512x64xi32>
    %slice3A_438 = vector.extract_strided_slice %or3A_32 {offsets = [0, 448], sizes = [512, 64], strides = [1, 1]} : vector<512x512xi32> to vector<512x64xi32>
    %concatenate3A_439 = tpu.concatenate %slice3A_437, %slice3A_438 in 1 : vector<512x64xi32>, vector<512x64xi32> -> vector<512x128xi32>
    %bitcast_convert_type3A_440 = tpu.bitcast %concatenate3A_439 : vector<512x128xi32> -> vector<512x128xf32>
    %swap3A_441 = arith.constant 7 : index
    %swap3A_442 = arith.constant 0 : index
    %swap3A_443 = arith.constant 0 : index
    %swap3A_444 = vector.load %arg8[%swap3A_441, %swap3A_442, %swap3A_443] : memref<8x512x128xf32, #tpu.memory_space<vmem>>, vector<1x512x128xf32>
    %swap3A_445 = vector.shape_cast %swap3A_444 : vector<1x512x128xf32> to vector<512x128xf32>
    %swap3A_446 = vector.shape_cast %bitcast_convert_type3A_440 : vector<512x128xf32> to vector<1x512x128xf32>
    tpu.vector_store %arg8[%swap3A_441, %swap3A_442, %swap3A_443], %swap3A_446 {strides = array<i32>} : memref<8x512x128xf32, #tpu.memory_space<vmem>>, vector<1x512x128xf32>,
    %reduce_sum3A_447 = arith.constant dense<0.000000e+00> : vector<1xf32>
    %reduce_sum3A_448 = vector.multi_reduction <add>, %select_n3A_428, %reduce_sum3A_447 [1] : vector<1x2048xf32> to vector<1xf32>
    %broadcast_in_dim3A_449 = vector.shape_cast %reduce_sum3A_448 : vector<1xf32> to vector<1x1xf32>
    %slice3A_450 = vector.extract_strided_slice %transpose3A {offsets = [0, 448], sizes = [1, 64], strides = [1, 1]} : vector<1x512xf32> to vector<1x64xf32>
    %concatenate3A_451 = tpu.concatenate %slice3A_450, %broadcast_in_dim3A_449, %broadcast_in_dim3A_35 in 1 : vector<1x64xf32>, vector<1x1xf32>, vector<1x63xf32> -> vector<1x128xf32>
    %eq3A_452 = arith.constant 0 : i32
    %eq3A_453 = arith.cmpi eq, %arg1, %eq3A_452 : i32
    %get3A_454 = arith.constant 7 : index
    %get3A_455 = arith.constant 0 : index
    %get3A_456 = vector.load %arg10[%get3A_454, %get3A_455] : memref<8x128xf32, #tpu.memory_space<vmem>>, vector<1x128xf32>
    %add3A_457 = arith.addf %get3A_456, %concatenate3A_451 : vector<1x128xf32>
    %select_n3A_458 = arith.select %eq3A_453, %concatenate3A_451, %add3A_457 : vector<1x128xf32>
    %swap3A_459 = arith.constant 7 : index
    %swap3A_460 = arith.constant 0 : index
    %swap3A_461 = vector.load %arg10[%swap3A_459, %swap3A_460] : memref<8x128xf32, #tpu.memory_space<vmem>>, vector<1x128xf32>
    tpu.vector_store %arg10[%swap3A_459, %swap3A_460], %select_n3A_458 {strides = array<i32>} : memref<8x128xf32, #tpu.memory_space<vmem>>, vector<1x128xf32>,
    %swap3A_462 = arith.constant 7 : index
    %swap3A_463 = arith.constant 0 : index
    %swap3A_464 = arith.constant 0 : index
    %swap3A_465 = vector.load %arg9[%swap3A_462, %swap3A_463, %swap3A_464] : memref<8x1x128xf32, #tpu.memory_space<vmem>>, vector<1x1x128xf32>
    %swap3A_466 = vector.shape_cast %swap3A_465 : vector<1x1x128xf32> to vector<1x128xf32>
    %swap3A_467 = vector.shape_cast %select_n3A_458 : vector<1x128xf32> to vector<1x1x128xf32>
    tpu.vector_store %arg9[%swap3A_462, %swap3A_463, %swap3A_464], %swap3A_467 {strides = array<i32>} : memref<8x1x128xf32, #tpu.memory_space<vmem>>, vector<1x1x128xf32>,
    return
  }
  func.func @transform_0(%arg0: i32, %arg1: i32) -> (i32, i32, i32) {
    %c0_i32 = arith.constant 0 : i32
    %c0_i32_0 = arith.constant 0 : i32
    return %arg0, %c0_i32, %arg1 : i32, i32, i32
  }
  func.func @transform_1(%arg0: i32, %arg1: i32) -> (i32, i32, i32) {
    %c0_i32 = arith.constant 0 : i32
    %c0_i32_0 = arith.constant 0 : i32
    return %arg0, %c0_i32, %arg1 : i32, i32, i32
  }
  func.func @transform_2(%arg0: i32, %arg1: i32) -> (i32, i32) {
    %c0_i32 = arith.constant 0 : i32
    %c0_i32_0 = arith.constant 0 : i32
    %c0_i32_1 = arith.constant 0 : i32
    return %c0_i32, %c0_i32_0 : i32, i32
  }
  func.func @transform_3(%arg0: i32, %arg1: i32) -> (i32, i32) {
    %c0_i32 = arith.constant 0 : i32
    %c0_i32_0 = arith.constant 0 : i32
    %c0_i32_1 = arith.constant 0 : i32
    return %c0_i32, %c0_i32_0 : i32, i32
  }
  func.func @transform_4(%arg0: i32, %arg1: i32) -> (i32, i32) {
    %c0_i32 = arith.constant 0 : i32
    %c0_i32_0 = arith.constant 0 : i32
    %c0_i32_1 = arith.constant 0 : i32
    return %c0_i32, %c0_i32_0 : i32, i32
  }
  func.func @transform_5(%arg0: i32, %arg1: i32) -> (i32, i32, i32) {
    %c0_i32 = arith.constant 0 : i32
    %c0_i32_0 = arith.constant 0 : i32
    return %c0_i32, %arg0, %arg1 : i32, i32, i32
  }
  func.func @transform_6(%arg0: i32, %arg1: i32) -> (i32, i32, i32) {
    %c0_i32 = arith.constant 0 : i32
    %c0_i32_0 = arith.constant 0 : i32
    return %arg0, %arg1, %c0_i32 : i32, i32, i32
  }
  func.func @transform_7(%arg0: i32, %arg1: i32) -> (i32, i32, i32) {
    %c0_i32 = arith.constant 0 : i32
    %c0_i32_0 = arith.constant 0 : i32
    %c0_i32_1 = arith.constant 0 : i32
    return %arg0, %c0_i32, %c0_i32_0 : i32, i32, i32
  }
}

module attributes {stable_mosaic.version = 14 : i64} {
  func.func @_vehicle_body(%arg0: i32, %arg1: memref<32x64x128xf32, #tpu.memory_space<vmem>>, %arg2: memref<32x64xf32, #tpu.memory_space<vmem>>, %arg3: memref<32x64xf32, #tpu.memory_space<vmem>>, %arg4: memref<32x64xf32, #tpu.memory_space<vmem>>, %arg5: memref<64x1xf32, #tpu.memory_space<vmem>>, %arg6: memref<64x1x128xf32, #tpu.memory_space<vmem>>, %arg7: memref<33x64x66xf32, #tpu.memory_space<vmem>>) attributes {dimension_semantics = [#tpu.dimension_semantics<arbitrary>], iteration_bounds = array<i64: 1>, scalar_prefetch = 0 : i64, scratch_operands = 0 : i64, tpu.core_type = #tpu.core_type<tc>, window_params = [{pipeline_mode = #tpu.pipeline_mode<synchronous>, transform_indices = @transform_0, window_bounds = array<i64: 32, 64, 128>}, {pipeline_mode = #tpu.pipeline_mode<synchronous>, transform_indices = @transform_1, window_bounds = array<i64: 32, 64>}, {pipeline_mode = #tpu.pipeline_mode<synchronous>, transform_indices = @transform_2, window_bounds = array<i64: 32, 64>}, {pipeline_mode = #tpu.pipeline_mode<synchronous>, transform_indices = @transform_3, window_bounds = array<i64: 32, 64>}, {pipeline_mode = #tpu.pipeline_mode<synchronous>, transform_indices = @transform_4, window_bounds = array<i64: 64, 1>}, {pipeline_mode = #tpu.pipeline_mode<synchronous>, transform_indices = @transform_5, window_bounds = array<i64: 64, 1, 128>}, {pipeline_mode = #tpu.pipeline_mode<synchronous>, transform_indices = @transform_6, window_bounds = array<i64: 33, 64, 66>}]} {
    %get3A = arith.constant 0 : index
    %get3A_0 = arith.constant 0 : index
    %get3A_1 = arith.constant 0 : index
    %get3A_2 = vector.load %arg1[%get3A, %get3A_0, %get3A_1] : memref<32x64x128xf32, #tpu.memory_space<vmem>>, vector<32x64x128xf32>
    %get3A_3 = arith.constant 0 : index
    %get3A_4 = arith.constant 0 : index
    %get3A_5 = vector.load %arg2[%get3A_3, %get3A_4] : memref<32x64xf32, #tpu.memory_space<vmem>>, vector<32x64xf32>
    %broadcast_in_dim3A = vector.shape_cast %get3A_5 : vector<32x64xf32> to vector<32x64x1xf32>
    %bitcast_convert_type3A = tpu.bitcast %get3A_2 : vector<32x64x128xf32> -> vector<32x64x128xi32>
    %lt3A = arith.constant 2.000000e+00 : f32
    %lt3A_6 = vector.broadcast %lt3A : f32 to vector<32x64x1xf32>
    %lt3A_7 = arith.cmpf olt, %broadcast_in_dim3A, %lt3A_6 : vector<32x64x1xf32>
    %slice3A = vector.extract_strided_slice %bitcast_convert_type3A {offsets = [0, 0, 0], sizes = [32, 64, 64], strides = [1, 1, 1]} : vector<32x64x128xi32> to vector<32x64x64xi32>
    %slice3A_8 = vector.extract_strided_slice %bitcast_convert_type3A {offsets = [0, 0, 64], sizes = [32, 64, 64], strides = [1, 1, 1]} : vector<32x64x128xi32> to vector<32x64x64xi32>
    %broadcast_in_dim3A_9 = vector.shape_cast %lt3A_7 : vector<32x64x1xi1> to vector<32x64x1xi1>
    %broadcast_in_dim3A_10 = vector.broadcast %broadcast_in_dim3A_9 : vector<32x64x1xi1> to vector<32x64x64xi1>
    %select_n3A = arith.select %broadcast_in_dim3A_10, %slice3A, %slice3A_8 : vector<32x64x64xi1>, vector<32x64x64xi32>
    %mul3A = arith.constant 5.000000e-01 : f32
    %mul3A_11 = vector.broadcast %mul3A : f32 to vector<32x64x1xf32>
    %mul3A_12 = arith.mulf %broadcast_in_dim3A, %mul3A_11 : vector<32x64x1xf32>
    %floor3A = math.floor %mul3A_12 : vector<32x64x1xf32>
    %mul3A_13 = arith.constant 2.000000e+00 : f32
    %mul3A_14 = vector.broadcast %mul3A_13 : f32 to vector<32x64x1xf32>
    %mul3A_15 = arith.mulf %mul3A_14, %floor3A : vector<32x64x1xf32>
    %sub3A = arith.subf %broadcast_in_dim3A, %mul3A_15 : vector<32x64x1xf32>
    %lt3A_16 = arith.constant 5.000000e-01 : f32
    %lt3A_17 = vector.broadcast %lt3A_16 : f32 to vector<32x64x1xf32>
    %lt3A_18 = arith.cmpf olt, %sub3A, %lt3A_17 : vector<32x64x1xf32>
    %shift_right_logical3A = arith.constant 16 : i32
    %shift_right_logical3A_19 = vector.broadcast %shift_right_logical3A : i32 to vector<32x64x64xi32>
    %shift_right_logical3A_20 = arith.shrui %select_n3A, %shift_right_logical3A_19 : vector<32x64x64xi32>
    %and3A = arith.constant 65535 : i32
    %and3A_21 = vector.broadcast %and3A : i32 to vector<32x64x64xi32>
    %and3A_22 = arith.andi %select_n3A, %and3A_21 : vector<32x64x64xi32>
    %broadcast_in_dim3A_23 = vector.shape_cast %lt3A_18 : vector<32x64x1xi1> to vector<32x64x1xi1>
    %broadcast_in_dim3A_24 = vector.broadcast %broadcast_in_dim3A_23 : vector<32x64x1xi1> to vector<32x64x64xi1>
    %select_n3A_25 = arith.select %broadcast_in_dim3A_24, %shift_right_logical3A_20, %and3A_22 : vector<32x64x64xi1>, vector<32x64x64xi32>
    %shift_left3A = arith.constant 16 : i32
    %shift_left3A_26 = vector.broadcast %shift_left3A : i32 to vector<32x64x64xi32>
    %shift_left3A_27 = arith.shli %select_n3A_25, %shift_left3A_26 : vector<32x64x64xi32>
    %bitcast_convert_type3A_28 = tpu.bitcast %shift_left3A_27 : vector<32x64x64xi32> -> vector<32x64x64xf32>
    %get3A_29 = arith.constant 0 : index
    %get3A_30 = arith.constant 0 : index
    %get3A_31 = vector.load %arg3[%get3A_29, %get3A_30] : memref<32x64xf32, #tpu.memory_space<vmem>>, vector<32x64xf32>
    %broadcast_in_dim3A_32 = vector.shape_cast %get3A_31 : vector<32x64xf32> to vector<32x64x1xf32>
    %get3A_33 = arith.constant 0 : index
    %get3A_34 = arith.constant 0 : index
    %get3A_35 = vector.load %arg4[%get3A_33, %get3A_34] : memref<32x64xf32, #tpu.memory_space<vmem>>, vector<32x64xf32>
    %broadcast_in_dim3A_36 = vector.shape_cast %get3A_35 : vector<32x64xf32> to vector<32x64x1xf32>
    %concatenate3A = tpu.concatenate %bitcast_convert_type3A_28, %broadcast_in_dim3A_32, %broadcast_in_dim3A_36 in 2 : vector<32x64x64xf32>, vector<32x64x1xf32>, vector<32x64x1xf32> -> vector<32x64x66xf32>
    %get3A_37 = arith.constant 0 : index
    %get3A_38 = arith.constant 0 : index
    %get3A_39 = arith.constant 0 : index
    %get3A_40 = vector.load %arg6[%get3A_37, %get3A_38, %get3A_39] : memref<64x1x128xf32, #tpu.memory_space<vmem>>, vector<64x1x128xf32>
    %squeeze3A = vector.shape_cast %get3A_40 : vector<64x1x128xf32> to vector<64x128xf32>
    %slice3A_41 = vector.extract_strided_slice %squeeze3A {offsets = [0, 0], sizes = [64, 64], strides = [1, 1]} : vector<64x128xf32> to vector<64x64xf32>
    %mul3A_42 = arith.constant 2.44140625E-4 : f32
    %mul3A_43 = vector.broadcast %mul3A_42 : f32 to vector<64x64xf32>
    %mul3A_44 = arith.mulf %slice3A_41, %mul3A_43 : vector<64x64xf32>
    %slice3A_45 = vector.extract_strided_slice %squeeze3A {offsets = [0, 64], sizes = [64, 1], strides = [1, 1]} : vector<64x128xf32> to vector<64x1xf32>
    %get3A_46 = arith.constant 0 : index
    %get3A_47 = arith.constant 0 : index
    %get3A_48 = vector.load %arg5[%get3A_46, %get3A_47] : memref<64x1xf32, #tpu.memory_space<vmem>>, vector<64x1xf32>
    %concatenate3A_49 = tpu.concatenate %mul3A_44, %slice3A_45, %get3A_48 in 1 : vector<64x64xf32>, vector<64x1xf32>, vector<64x1xf32> -> vector<64x66xf32>
    %broadcast_in_dim3A_50 = vector.shape_cast %concatenate3A_49 : vector<64x66xf32> to vector<1x64x66xf32>
    %concatenate3A_51 = tpu.concatenate %broadcast_in_dim3A_50, %concatenate3A in 0 : vector<1x64x66xf32>, vector<32x64x66xf32> -> vector<33x64x66xf32>
    %swap3A = arith.constant 0 : index
    %swap3A_52 = arith.constant 0 : index
    %swap3A_53 = arith.constant 0 : index
    %swap3A_54 = vector.load %arg7[%swap3A, %swap3A_52, %swap3A_53] : memref<33x64x66xf32, #tpu.memory_space<vmem>>, vector<33x64x66xf32>
    tpu.vector_store %arg7[%swap3A, %swap3A_52, %swap3A_53], %concatenate3A_51 {strides = array<i32>} : memref<33x64x66xf32, #tpu.memory_space<vmem>>, vector<33x64x66xf32>,
    return
  }
  func.func @transform_0(%arg0: i32) -> (i32, i32, i32) {
    %c0_i32 = arith.constant 0 : i32
    %c0_i32_0 = arith.constant 0 : i32
    %c0_i32_1 = arith.constant 0 : i32
    %c0_i32_2 = arith.constant 0 : i32
    return %c0_i32, %c0_i32_0, %c0_i32_1 : i32, i32, i32
  }
  func.func @transform_1(%arg0: i32) -> (i32, i32) {
    %c0_i32 = arith.constant 0 : i32
    %c0_i32_0 = arith.constant 0 : i32
    %c0_i32_1 = arith.constant 0 : i32
    return %c0_i32, %c0_i32_0 : i32, i32
  }
  func.func @transform_2(%arg0: i32) -> (i32, i32) {
    %c0_i32 = arith.constant 0 : i32
    %c0_i32_0 = arith.constant 0 : i32
    %c0_i32_1 = arith.constant 0 : i32
    return %c0_i32, %c0_i32_0 : i32, i32
  }
  func.func @transform_3(%arg0: i32) -> (i32, i32) {
    %c0_i32 = arith.constant 0 : i32
    %c0_i32_0 = arith.constant 0 : i32
    %c0_i32_1 = arith.constant 0 : i32
    return %c0_i32, %c0_i32_0 : i32, i32
  }
  func.func @transform_4(%arg0: i32) -> (i32, i32) {
    %c0_i32 = arith.constant 0 : i32
    %c0_i32_0 = arith.constant 0 : i32
    %c0_i32_1 = arith.constant 0 : i32
    return %c0_i32, %c0_i32_0 : i32, i32
  }
  func.func @transform_5(%arg0: i32) -> (i32, i32, i32) {
    %c0_i32 = arith.constant 0 : i32
    %c0_i32_0 = arith.constant 0 : i32
    %c0_i32_1 = arith.constant 0 : i32
    %c0_i32_2 = arith.constant 0 : i32
    return %c0_i32, %c0_i32_0, %c0_i32_1 : i32, i32, i32
  }
  func.func @transform_6(%arg0: i32) -> (i32, i32, i32) {
    %c0_i32 = arith.constant 0 : i32
    %c0_i32_0 = arith.constant 0 : i32
    %c0_i32_1 = arith.constant 0 : i32
    %c0_i32_2 = arith.constant 0 : i32
    return %c0_i32, %c0_i32_0, %c0_i32_1 : i32, i32, i32
  }
}

</mosaic_0001>

<sc_bundles>
// kernel: kernel.5.cloned.1.call-start
scs
__scs_entry_jumppad:
0x0: {  	(pc) =	sbr.rel $0x88, $3  }
0x1: {  	(tag) =	ssettag $0x0;
	lr =	simm.s32 $0x1  }
0x2: {  	[smem:$0x3F99] =	sst lr;
	_ =	strace $0xD0000000  }
0x3: {  	_ = 	snop  }
0x4: {  	_ = 	snop  }
0x5: {  	_ = 	snop  }
0x6: {  	_ = 	snop  }
0x7: {  	_ = 	snop  }
__scs_overlays_trampoline_lowered:
0x8: {  	[smem:$0x3FA8] =	sst s0  }
0x9: {  	[smem:$0x3FA9] =	sst s1  }
0xa: {  	[smem:$0x3FAA] =	sst s2  }
0xb: {  	[smem:$0x3FAB] =	sst s3  }
0xc: {  	[smem:$0x3FAC] =	sst s4  }
0xd: {  	[smem:$0x3FAD] =	sst s5  }
0xe: {  	[smem:$0x3FAE] =	sst s6  }
0xf: {  	[smem:$0x3FAF] =	sst s7  }
0x10: {  	[smem:$0x3FB0] =	sst s8  }
0x11: {  	[smem:$0x3FB1] =	sst s9;
	s0 =	simm.s32 @!p0 $0x0  }
0x12: {  	s1 =	sld [smem:$0x3F97];
	s0 =	simm.s32 @p0 $0x1  }
0x13: {  	[smem:$0x3FB2] =	sst s0;
	s0 =	simm.s32 @!p1 $0x0  }
0x14: {  	s2 =	sld [smem:$0x3F96];
	s0 =	simm.s32 @p1 $0x1  }
0x15: {  	[smem:$0x3FB3] =	sst s0;
	s0 =	simm.s32 @!p2 $0x0  }
0x16: {  	s3 =	sld [smem:$0x3FDB];
	s0 =	simm.s32 @p2 $0x1  }
0x17: {  	s4 =	simm.s32 $0x1BF5;
	[smem:$0x3FB5] =	sst s0  }
0x18: {  	s0 =	sld [smem:$0x3F98];
	_ =	swait.ge [sflag:s4], $0x0  }
0x19: {  	s7 =	sld [smem:$0x3F99]  }
0x1a: {  	s8 =	sadd.s32 $0xFFFFE003, lr  }
0x1b: {  	s9 =	sadd.s32 $0xFFFFFEF7, lr;
	s5 =	simm.s32 $0xFFFFFFFF;
	p2 =	slt.u32 s8, $0xFFFFF086  }
0x1c: {  	p1 =	slt.u32 s9, $0xF7A;
	s5 =	simm.s32 @!p2 $0x0  }
0x1d: {  	s5 =	simm.s32 @p1 $0x1;
	p0 =	seq.s32 s7, s2  }
0x1e: {  	s7 =	smul.u32 @!p0 $0xF7A, s2;
	p2 =	seq.s32 @!p0 s5, $0x0  }
0x1f: {  	s9 =	smul.u32 $0xF7A, s1;
	s8 =	simm.s32 @!p0 $0x1BF5;
	p2 =	por !p2, p0  }
0x20: {  	[sflag:s8] =	ssyncset.s32 @!p0 $0xFFFFF086;
	s6 =	sadd.s32 @!p0 s3, s7;
	s7 =	simm.s32 @!p0 $0x108  }
0x21: {  	s3 =	sadd.s32 s3, s9;
	s6 =	sadd.s32 @!p0 $0x88, s6;
	s7 =	simm.s32 @p2 $0x1082  }
0x22: {  	[simem:s7], [sflag:s8] =	dma.local @!p0 [hbm:s6], $0xF7A  }
0x23: {  	s9 =	sor.u32 $0xD0000000, s2;
	s6 =	simm.s32 $0x108;
	_ =	swait.ge @!p0 [sflag:s8], $0x0  }
0x24: {  	s3 =	sadd.s32 $0x88, s3;
	s6 =	simm.s32 @!p1 $0x1082;
	[sflag:s4] =	ssyncset.s32 $0xFFFFF086  }
0x25: {  	[simem:s6], [sflag:s4] =	dma.local [hbm:s3], $0xF7A  }
0x26: {  	[smem:$0x3F99] =	sst s1;
	(tag) =	ssettag s2;
	_ =	strace s9  }
0x27: {  	s1 =	sld [smem:$0x3FA9]  }
0x28: {  	s2 =	sld [smem:$0x3FAA]  }
0x29: {  	s4 =	sld [smem:$0x3FAC]  }
0x2a: {  	p0 =	seq.s32 s5, $0x0;
	s5 =	sld [smem:$0x3FAD]  }
0x2b: {  	s6 =	sld [smem:$0x3FAE]  }
0x2c: {  	s7 =	sld [smem:$0x3FAF]  }
0x2d: {  	s3 =	simm.s32 $0x108;
	s8 =	sld [smem:$0x3FB0]  }
0x2e: {  	s3 =	simm.s32 @!p0 $0x1082;
	s9 =	sld [smem:$0x3FB1]  }
0x2f: {  	lr =	sadd.s32 s0, s3;
	s0 =	sld [smem:$0x3FA8]  }
0x30: {  	s3 =	sld [smem:$0x3FAB]  }
0x31: {  	[smem:$0x3FB4] =	sst s10  }
0x32: {  	s10 =	sld [smem:$0x3FB2];
	_ =	sdelay $0x3  }
0x33: {  	p0 =	seq.s32 s10, $0x1;
	s10 =	sld [smem:$0x3FB4];
	_ =	sdelay $0x3  }
0x34: {  	[smem:$0x3FB4] =	sst s10  }
0x35: {  	s10 =	sld [smem:$0x3FB3];
	_ =	sdelay $0x3  }
0x36: {  	p1 =	seq.s32 s10, $0x1;
	s10 =	sld [smem:$0x3FB4];
	_ =	sdelay $0x3  }
0x37: {  	[smem:$0x3FB4] =	sst s10  }
0x38: {  	s10 =	sld [smem:$0x3FB5]  }
0x39: {  	_ = 	snop;
	(pc) =	sbr.ind lr, $3  }
0x3a: {  	_ = 	snop  }
0x3b: {  	_ = 	snop  }
0x3c: {  	p2 =	seq.s32 s10, $0x1;
	s10 =	sld [smem:$0x3FB4]  }
0x3d: {  	_ =	shalt  }
0x3e: {  	_ =	shalt  }
0x3f: {  	_ =	shalt  }
0x40: {  	_ =	shalt  }
0x41: {  	_ =	shalt  }
0x42: {  	_ =	shalt  }
0x43: {  	_ =	shalt  }
0x44: {  	_ =	shalt  }
0x45: {  	_ =	shalt  }
0x46: {  	_ =	shalt  }
0x47: {  	_ =	shalt  }
0x48: {  	_ =	shalt  }
0x49: {  	_ =	shalt  }
0x4a: {  	_ =	shalt  }
0x4b: {  	_ =	shalt  }
0x4c: {  	_ =	shalt  }
0x4d: {  	_ =	shalt  }
0x4e: {  	_ =	shalt  }
0x4f: {  	_ =	shalt  }
0x50: {  	_ =	shalt  }
0x51: {  	_ =	shalt  }
0x52: {  	_ =	shalt  }
0x53: {  	_ =	shalt  }
0x54: {  	_ =	shalt  }
0x55: {  	_ =	shalt  }
0x56: {  	_ =	shalt  }
0x57: {  	_ =	shalt  }
0x58: {  	_ =	shalt  }
0x59: {  	_ =	shalt  }
0x5a: {  	_ =	shalt  }
0x5b: {  	_ =	shalt  }
0x5c: {  	_ =	shalt  }
0x5d: {  	_ =	shalt  }
0x5e: {  	_ =	shalt  }
0x5f: {  	_ =	shalt  }
0x60: {  	_ =	shalt  }
0x61: {  	_ =	shalt  }
0x62: {  	_ =	shalt  }
0x63: {  	_ =	shalt  }
0x64: {  	_ =	shalt  }
0x65: {  	_ =	shalt  }
0x66: {  	_ =	shalt  }
0x67: {  	_ =	shalt  }
0x68: {  	_ =	shalt  }
0x69: {  	_ =	shalt  }
0x6a: {  	_ =	shalt  }
0x6b: {  	_ =	shalt  }
0x6c: {  	_ =	shalt  }
0x6d: {  	_ =	shalt  }
0x6e: {  	_ =	shalt  }
0x6f: {  	_ =	shalt  }
0x70: {  	_ =	shalt  }
0x71: {  	_ =	shalt  }
0x72: {  	_ =	shalt  }
0x73: {  	_ =	shalt  }
0x74: {  	_ =	shalt  }
0x75: {  	_ =	shalt  }
0x76: {  	_ =	shalt  }
0x77: {  	_ =	shalt  }
0x78: {  	_ =	shalt  }
0x79: {  	_ =	shalt  }
0x7a: {  	_ =	shalt  }
0x7b: {  	_ =	shalt  }
0x7c: {  	_ =	shalt  }
0x7d: {  	_ =	shalt  }
0x7e: {  	_ =	shalt  }
0x7f: {  	_ =	shalt  }
0x80: {  	_ =	shalt  }
0x81: {  	_ =	shalt  }
0x82: {  	_ =	shalt  }
0x83: {  	_ =	shalt  }
0x84: {  	_ =	shalt  }
0x85: {  	_ =	shalt  }
0x86: {  	_ =	shalt  }
0x87: {  	_ =	shalt  }
.Lfunc_end0:
.L_simem_size_0:
called_computation_lowered:
.L_overlay_start_0:
0x88: {  	s2 =	sld [smem:$0x3FD9]  }
0x89: {  	s3 =	sld [smem:$0x3FFE];
	_ =	sdelay $0x1  }
0x8a: {  	s1 =	srdreg.scid  }
0x8b: {  	s0 =	sand.u32 $0x1, s1  }
0x8c: {  	s14 =	sshll.u32 s0, $0xA;
	s2 =	sadd.s32 s3, s2  }
0x8d: {  	s2 =	sadd.s32 s2, s14  }
0x8e: {  	[smem:$0x3FC0] =	sst s2  }
0x8f: {  	_ = 	snop  }
0x90: {  	s2 =	sld [smem:$0x3FD0];
	_ =	sdelay $0x2  }
0x91: {  	s15 =	simm.s32 $0xA;
	s4 =	simm.s32 $0x10  }
0x92: {  	[smem:s4], [sflag:s15] =	dma.local [hbm:s2], $0x1  }
0x93: {  	_ =	swait.eq [sflag:s15], $0x1  }
0x94: {  	[sflag:s15] =	ssyncset.done $0x0  }
0x95: {  	[sflag:s15] =	ssyncadd.s32 $0xFFFFFFFF  }
0x96: {  	s16 =	sld [smem:$0x10];
	(tm) =	ssettm $0x1  }
0x97: {  	s17 =	sld [smem:$0x3FFB];
	_ =	sdelay $0x3  }
0x98: {  	_ =	strace s17  }
0x99: {  	s3 =	sld [smem:$0x3FFC];
	_ =	sdelay $0x3  }
0x9a: {  	_ =	strace s3  }
0x9b: {  	s3 =	sld [smem:$0x3FFD];
	_ =	sdelay $0x3  }
0x9c: {  	_ =	strace s3  }
0x9d: {  	_ =	strace $0x8FFFFFFF  }
0x9e: {  	s18 =	sld [smem:$0x3FDB];
	_ =	sdelay $0x1  }
0x9f: {  	s19 =	simm.s32 $_scs_section_size  }
0xa0: {  	s5 =	simm.s32 $_size__tile_overlayer_lowered;
	s6 =	simm.s32 $_tile_overlayer_lowered  }
0xa1: {  	s22 =	simm.s32 $0x1BFF;
	s21 =	sshll.u32 s6, $0x1;
	s3 =	sadd.s32 s19, s18  }
0xa2: {  	s7 =	simm.s32 $0x0;
	s20 =	sshll.u32 s5, $0x1;
	s5 =	sadd.s32 s21, s3  }
0xa3: {  	[timem:s7], [sflag:s22] =	dma.local [hbm:s5], s20  }
0xa4: {  	_ =	swait.ge [sflag:s22], s20  }
0xa5: {  	s4 =	ssub.s32 $0x0, s20;
	[sflag:s22] =	ssyncset.done $0x0  }
0xa6: {  	[sflag:s22] =	ssyncadd.s32 s4;
	_ =	sdelay $0x1  }
0xa7: {  	s23 =	simm.s32 $0x1B8B  }
0xa8: {  	_ =	swait.ge [sflag:s23], $0x1  }
0xa9: {  	[sflag:s23] =	ssyncset.done $0x0  }
0xaa: {  	s25 =	simm.s32 $0x1B8E;
	s24 =	sld [smem:$0x3FFE];
	[sflag:s23] =	ssyncadd.s32 $0xFFFFFFFF  }
0xab: {  	s26 =	simm.s32 $execute0_lowered;
	[smem:$0x3FD2] =	sst s25  }
0xac: {  	s5 =	sshll.u32 s26, $0x1;
	_ =	strace $0x80000046;
	[dreg:$0x1] =	wrdreg $0xFFFFFFFF  }
0xad: {  	s28 =	simm.s32 $_size_execute0_lowered;
	s3 =	sadd.s32 s3, s5;
	[dreg:$0x0] =	wrdreg $0x0  }
0xae: {  	s5 =	sshll.u32 s28, $0x1;
	[dreg:$0x2] =	wrdreg s3  }
0xaf: {  	[dreg:$0x3] =	wrdreg s5  }
0xb0: {  	[dreg:$0x4] =	wrdreg $0xC0  }
0xb1: {  	_ =	task [dreg:s7], $0x5FFFF  }
0xb2: {  	[dreg:$0x1] =	wrdreg $0xFFFFFFFF  }
0xb3: {  	[dreg:$0x0] =	wrdreg $0x60  }
0xb4: {  	[dreg:$0x2] =	wrdreg s24  }
0xb5: {  	[dreg:$0x3] =	wrdreg s16  }
0xb6: {  	[dreg:$0x4] =	wrdreg $0x9  }
0xb7: {  	_ =	task.clear_ibuf [dreg:s7], $0x5FFFF;
	_ =	strace $0x90000046  }
0xb8: {  	s29 =	simm.s32 $0x9;
	_ =	strace $0x80000048  }
0xb9: {  	_ =	swait.ge [sflag:s29], $0x1  }
0xba: {  	[sflag:s29] =	ssyncadd.s32 $0xFFFFFFFF  }
0xbb: {  	_ =	strace $0x90000048  }
0xbc: {  	_ =	sfence  }
0xbd: {  	s30 =	sld [smem:$0x0];
	_ =	sdelay $0x2  }
0xbe: {  	s31 =	sshll.u32 s1, $0xD;
	s1 =	sshrl.u32 s1, $0x2  }
0xbf: {  	s3 =	sand.u32 $0x4000, s31;
	s1 =	sadd.s32 s1, s30  }
0xc0: {  	s0 =	sor.u32 s3, s0;
	s1 =	sshll.u32 s1, $0x11  }
0xc1: {  	s0 =	sor.u32 s1, s0  }
0xc2: {  	s0 =	sadd.s32 $0x8F2B, s0  }
0xc3: {  	[sflag:s0] =	ssyncadd.remote.s32 $0x1  }
0xc4: {  	_ =	sfence.sel $0xFFFF  }
0xc5: {  	[dreg:$0x0] =	wrdreg $0xFFFFFFFF;
	(pc) =	sbr.abs _section_cstart, $3  }
0xc6: {  	[dreg:$0x1] =	wrdreg $0xFFFFFFFF  }
0xc7: {  	_ =	task.clear_ibuf [dreg:s7], $0x2FFFF;
	_ =	strace $0x9FFFFFFF  }
0xc8: {  	(tm) =	ssettm $0x7FFFFFFF  }
0xc9: {  	_ =	shalt  }
tec
execute0_lowered:
.L_overlay_start_1:
0x0: {  	(tag) =	ssettag $0x1  }
0x1: {  	s1 =	srdreg.scid  }
0x2: {  	s0 =	stileid.u32;
	s6 =	sand.u32 $0x1, s1  }
0x3: {  	s5 =	rddreg [dreg:$0x0];
	s30 =	sshll.u32 s0, $0x7;
	s2 =	sshll.u32 s6, $0x6  }
0x4: {  	s9 =	rddreg [dreg:$0x1];
	s7 =	simm.s32 $0x80;
	s10 =	sor.u32 s2, s30  }
0x5: {  	s1 =	rddreg [dreg:$0x2];
	s2 =	simm.s32 $0x0;
	s3 =	sshrl.u32 s10, $0x3  }
0x6: {  	s11 =	ssub.s32 $0x2, s6;
	[smem:$0x7FF] =	sst s2;
	s3 =	sadd.s32 s3, s5  }
0x7: {  	_ =	strace $0x80000047;
	s4 =	sadd.s32 $0x1400, s3;
	s3 =	simm.s32 $0x2  }
0x8: {  	[tilespmem:s2], [sflag:$0x2] =	stream.linear.gather [hbm4b:s4+s2], $0x40, $0x38;
	[tilespmem:$0x2080] =	vst v63  }
0x9: {  	s8 =	simm.s32 $0x1;
	s12 =	sshrl.u32 s11, $0x1;
	_ =	swait.ge [sflag:s3], $0x40  }
0xa: {  	s6 =	simm.s32 $0x40;
	s11 =	ssub.s32 s11, s12;
	[sflag:s3] =	ssyncset.done $0x0  }
0xb: {  	s5 =	sadd.s32 $0x1600, s5;
	s31 =	smax.u32 s11, $0x1;
	[sflag:s3] =	ssyncadd.s32 $0xFFFFFFC0  }
0xc: {  	[tilespmem:s7], [sflag:$0x1] =	stream.indirect.gather [hbm4b:s5+s6], $0x80, s2, s6, $0xb8;
	[tilespmem:$0x2080] =	vst v63  }
0xd: {  	p0 =	sne.s32 s31, $0x1;
	_ =	swait.ge [sflag:s8], $0x2000  }
.Ltmp0:
0xe: {  	s10 =	sshll.u32 s10, $0x4;
	[sflag:s8] =	ssyncset.done $0x0;
	(pc) =	sbr.rel @!p0 .LBB2_2-.Ltmp0, $4  }
0xf: {  	s9 =	sadd.s32 s9, s10;
	[sflag:s8] =	ssyncadd.s32 $0xFFFFE000  }
0x10: {  	[hbm4b:s9+s2] =	stream.linear.scatter [tilespmem:s7], [sflag:$0x2], $0x2000, $0x38;
	[tilespmem:$0x2080] =	vst v63  }
0x11: {  	_ =	swait.ge [sflag:s3], $0x2000  }
0x12: {  	s10 =	sadd.s32 $0xFFFFFFFF, s31;
	[sflag:s3] =	ssyncset.done $0x0  }
.LBB2_1:
0x13: {  	p0 =	sne.s32 s10, $0x1;
	s10 =	sadd.s32 $0xFFFFFFFF, s10;
	[sflag:s3] =	ssyncadd.s32 $0xFFFFE000  }
0x14: {  	[tilespmem:s2], [sflag:$0x2] =	stream.linear.gather [hbm4b:s4+s2], $0x40, $0x38;
	[tilespmem:$0x2080] =	vst v63  }
0x15: {  	_ =	swait.ge [sflag:s3], $0x40  }
0x16: {  	[sflag:s3] =	ssyncset.done $0x0  }
0x17: {  	[sflag:s3] =	ssyncadd.s32 $0xFFFFFFC0  }
0x18: {  	[tilespmem:s7], [sflag:$0x1] =	stream.indirect.gather [hbm4b:s5+s6], $0x80, s2, s6, $0xb8;
	[tilespmem:$0x2080] =	vst v63  }
0x19: {  	_ =	swait.ge [sflag:s8], $0x2000  }
.Ltmp1:
0x1a: {  	[sflag:s8] =	ssyncset.done $0x0;
	(pc) =	sbr.rel @p0 .LBB2_1-.Ltmp1, $4  }
0x1b: {  	[sflag:s8] =	ssyncadd.s32 $0xFFFFE000  }
0x1c: {  	[hbm4b:s9+s2] =	stream.linear.scatter [tilespmem:s7], [sflag:$0x2], $0x2000, $0x38;
	[tilespmem:$0x2080] =	vst v63  }
0x1d: {  	_ =	swait.ge [sflag:s3], $0x2000  }
0x1e: {  	[sflag:s3] =	ssyncset.done $0x0  }
.LBB2_2:
0x1f: {  	[sflag:s3] =	ssyncadd.s32 $0xFFFFE000  }
0x20: {  	_ =	sfence.sel $0x180000  }
0x21: {  	[bflag:$0x0] =	sbarrier.arrive $0xFFFF  }
0x22: {  	p0 =	sne.s32 s0, $0x0;
	_ =	strace $0x90000047  }
0x23: {  	s0 =	sadd.s32 @!p0 $0x100000, s1;
	[bflag:$0x2] =	sbarrier.arrive $0xFFFF  }
0x24: {  	[sflag:s0] =	ssyncadd.tile.s32 @!p0 $0x1;
	_ =	shalt  }
.Lfunc_end2:
_tile_overlayer_lowered:
.L_overlay_start_2:
0x25: {  	(tag) =	ssettag $0x2  }
0x26: {  	s0 =	rddreg [dreg:$0x0];
	s2 =	stileid.u32  }
0x27: {  	s1 =	rddreg [dreg:$0x1];
	p0 =	sne.s32 s2, $0x0  }
0x28: {  	s3 =	rddreg [dreg:$0x2];
	[bflag:$0x3] =	sbarrier.arrive $0xFFFF;
	s2 =	simm.s32 @!p0 $0x1C02  }
0x29: {  	[timem:s3], [sflag:s2] =	dma.local @!p0 [hbm:s0], s1  }
0x2a: {  	s0 =	simm.s32 @!p0 $0x2  }
0x2b: {  	_ =	swait.ge @!p0 [sflag:s0], s1  }
0x2c: {  	s1 =	ssub.s32 @!p0 $0x0, s1;
	[sflag:s0] =	ssyncset.done @!p0 $0x0  }
0x2d: {  	[sflag:s0] =	ssyncadd.s32 @!p0 s1  }
0x2e: {  	[bflag:$0x3] =	sbarrier.arrive $0xFFFF  }
0x2f: {  	_ =	shalt  }

</sc_bundles>
